<compile_context>
chip_gen: v7x
topology: tpu7x:2x2x1
jax: 0.10.2.dev20260603
libtpu: 0.0.44.dev20260713+nightly
codegen_flags: <defaults>
</compile_context>

<pallas_src>
import jax
import jax.numpy as jnp
from jax import lax
from jax.experimental import pallas as pl
from jax.experimental.pallas import tpu as pltpu
from jax.experimental.pallas import tpu_sc as plsc

NC = 2
NS = 16
L = 16
NW = NC * NS

ROWS = 16 * 3 * 512
COLS = 512
ROWS_W = ROWS // NW
NBUF = 2
RCHUNK = 48
NCHUNK = ROWS_W // RCHUNK
NGRP = NCHUNK // NBUF
CVEC = COLS // L


def _body(x_hbm, kp_hbm, out_hbm, ktab, ctab, stab,
          ibuf0, ibuf1, obuf0, obuf1, isem0, isem1, osem0, osem1):
    ibuf = (ibuf0, ibuf1)
    obuf = (obuf0, obuf1)
    isem = (isem0, isem1)
    osem = (osem0, osem1)

    wid = lax.axis_index("s") * NC + lax.axis_index("c")
    base = wid * ROWS_W

    pltpu.sync_copy(kp_hbm, ktab.at[pl.ds(0, 32)])
    for j in range(2):
        iv = lax.iota(jnp.int32, L) + (L * j)
        k0 = plsc.load_gather(ktab, [iv])
        k1 = plsc.load_gather(ktab, [jnp.minimum(iv + 1, 31)])
        dk = k1 - k0
        stab[pl.ds(L * j, L)] = dk * 31.0
        ctab[pl.ds(L * j, L)] = k0 - iv.astype(jnp.float32) * dk

    def start_in(g, b):
        return pltpu.async_copy(
            x_hbm.at[pl.ds(base + g * RCHUNK, RCHUNK)], ibuf[b], isem[b])

    def wait_in(g, b):
        pltpu.make_async_copy(
            x_hbm.at[pl.ds(base + g * RCHUNK, RCHUNK)], ibuf[b], isem[b]).wait()

    def start_out(g, b):
        return pltpu.async_copy(
            obuf[b], out_hbm.at[pl.ds(base + g * RCHUNK, RCHUNK)], osem[b])

    def wait_out(g, b):
        pltpu.make_async_copy(
            obuf[b], out_hbm.at[pl.ds(base + g * RCHUNK, RCHUNK)], osem[b]).wait()

    def compute(b):
        src = ibuf[b]
        dst = obuf[b]

        @plsc.parallel_loop(0, RCHUNK * COLS, step=L, unroll=4)
        def _(v):
            r = lax.shift_right_logical(v, 9)
            cc = lax.bitwise_and(v, COLS - 1)
            xv = src[r, pl.ds(cc, L)]
            i = jnp.clip((xv * 31.0).astype(jnp.int32), 0, 30)
            c = plsc.load_gather(ctab, [i])
            s = plsc.load_gather(stab, [i])
            dst[r, pl.ds(cc, L)] = c + s * xv

    for b in range(NBUF):
        start_in(b, b)
    for b in range(NBUF):
        wait_in(b, b)
        compute(b)
        start_out(b, b)
        start_in(b + NBUF, b)

    def group_body(t, carry):
        for b in range(NBUF):
            g = NBUF * t + b
            wait_out(g - NBUF, b)
            wait_in(g, b)
            compute(b)
            start_out(g, b)
            start_in(g + NBUF, b)
        return carry

    lax.fori_loop(1, NGRP - 1, group_body, 0)

    for b in range(NBUF):
        g = NCHUNK - NBUF + b
        wait_out(g - NBUF, b)
        wait_in(g, b)
        compute(b)
        start_out(g, b)
    for b in range(NBUF):
        wait_out(NCHUNK - NBUF + b, b)


def kernel(x, keypoints):
    mesh = plsc.VectorSubcoreMesh(
        core_axis_name="c", subcore_axis_name="s", num_cores=NC, num_subcores=NS
    )
    run = pl.kernel(
        _body,
        out_type=jax.ShapeDtypeStruct((ROWS, COLS), jnp.float32),
        mesh=mesh,
        compiler_params=pltpu.CompilerParams(needs_layout_passes=False),
        scratch_types=[
            pltpu.VMEM((128,), jnp.float32),
            pltpu.VMEM((128,), jnp.float32),
            pltpu.VMEM((128,), jnp.float32),
            *([pltpu.VMEM((RCHUNK, COLS), jnp.float32)] * (2 * NBUF)),
            *([pltpu.SemaphoreType.DMA] * (2 * NBUF)),
        ],
    )
    y = run(x.reshape(ROWS, COLS), keypoints)
    return y.reshape(x.shape)

# --- scband reference (transcript-rebuilt; emitter-appended) ---
"""Pipeline reference for scband-gamma-73375221285251 (READ-ONLY COPY).

The authoritative reference and input builder live on the scoring server;
editing this copy changes nothing except your own understanding.
"""

import jax, jax.numpy as jnp
import numpy as np


def setup_inputs(seed: int = 0) -> dict:
    key = jax.random.key(seed)
    k1, _ = jax.random.split(key)
    x = jax.random.uniform(k1, (16, 3, 512, 512), dtype=jnp.float32)
    # learned parameter per init_kwargs: n_point=32, initialized as linspace(0, 1, n_point)
    keypoints = jnp.linspace(0.0, 1.0, 32, dtype=jnp.float32)
    return {"x": x, "keypoints": keypoints}


def reference(x, keypoints):
    n_space = keypoints.shape[0] - 1
    eps = 1e-06
    x_ = jnp.clip(x, eps, 1.0 - eps)
    i = jnp.floor(x_ * n_space).astype(jnp.int32)
    alpha = x * n_space - i
    y = jnp.take(keypoints, i, axis=0) * (1.0 - alpha) + jnp.take(keypoints, i + 1, axis=0) * alpha
    return y

if __name__ == "__main__":
    import jax
    _d = setup_inputs()
    print(jax.jit(kernel)(*tuple(_d.values())))

</pallas_src>

<mosaic_0001>
#map = affine_map<(d0, d1) -> (0, 0)>
#map1 = affine_map<(d0, d1) -> (0)>
module attributes {stable_mosaic.version = 14 : i64} {
  func.func @_body(%arg0: i32, %arg1: i32, %arg2: memref<24576x512xf32, #tpu.memory_space<hbm>>, %arg3: memref<32xf32, #tpu.memory_space<hbm>>, %arg4: memref<24576x512xf32, #tpu.memory_space<hbm>>, %arg5: memref<128xf32, #tpu.memory_space<vmem>>, %arg6: memref<128xf32, #tpu.memory_space<vmem>>, %arg7: memref<128xf32, #tpu.memory_space<vmem>>, %arg8: memref<48x512xf32, #tpu.memory_space<vmem>>, %arg9: memref<48x512xf32, #tpu.memory_space<vmem>>, %arg10: memref<48x512xf32, #tpu.memory_space<vmem>>, %arg11: memref<48x512xf32, #tpu.memory_space<vmem>>, %arg12: memref<!tpu.dma_semaphore, #tpu.memory_space<semaphore_mem>>, %arg13: memref<!tpu.dma_semaphore, #tpu.memory_space<semaphore_mem>>, %arg14: memref<!tpu.dma_semaphore, #tpu.memory_space<semaphore_mem>>, %arg15: memref<!tpu.dma_semaphore, #tpu.memory_space<semaphore_mem>>) attributes {dimension_semantics = [#tpu.dimension_semantics<core_parallel>, #tpu.dimension_semantics<subcore_parallel>], iteration_bounds = array<i64: 2, 16>, scalar_prefetch = 0 : i64, scratch_operands = 11 : i64, tpu.core_type = #tpu.core_type<sc_vector_subcore>, window_params = [{transform_indices = #map}, {transform_indices = #map1}, {transform_indices = #map}]} {
    %mul3A = arith.constant 2 : i32
    %mul3A_0 = arith.muli %arg1, %mul3A : i32
    %add3A = arith.addi %mul3A_0, %arg0 : i32
    %mul3A_1 = arith.constant 768 : i32
    %mul3A_2 = arith.muli %add3A, %mul3A_1 : i32
    "tpu.region"() ({
      %run_scoped3A = tpu.sem_alloc : memref<!tpu.dma_semaphore, #tpu.memory_space<semaphore_mem>>
      %dma_start3A_153 = arith.constant 0 : i32
      %dma_start3A_154 = tpu.memref_slice %arg5[%dma_start3A_153] : memref<128xf32, #tpu.memory_space<vmem>> -> memref<32xf32, #tpu.memory_space<vmem>>
      %dma_start3A_155 = arith.constant 0 : i32
      %dma_start3A_156 = tpu.memref_slice %arg5[%dma_start3A_155] : memref<128xf32, #tpu.memory_space<vmem>> -> memref<32xf32, #tpu.memory_space<vmem>>
      tpu.enqueue_dma source(%arg3 : memref<32xf32, #tpu.memory_space<hbm>>) target(%dma_start3A_156 : memref<32xf32, #tpu.memory_space<vmem>>) target_semaphore(%run_scoped3A : memref<!tpu.dma_semaphore, #tpu.memory_space<semaphore_mem>>)
      %dma_wait3A_157 = arith.constant 0 : i32
      %dma_wait3A_158 = tpu.memref_slice %arg5[%dma_wait3A_157] : memref<128xf32, #tpu.memory_space<vmem>> -> memref<32xf32, #tpu.memory_space<vmem>>
      %dma_wait3A_159 = arith.constant 0 : i32
      %dma_wait3A_160 = tpu.memref_slice %arg5[%dma_wait3A_159] : memref<128xf32, #tpu.memory_space<vmem>> -> memref<32xf32, #tpu.memory_space<vmem>>
      tpu.wait_dma2 semaphore(%run_scoped3A : memref<!tpu.dma_semaphore, #tpu.memory_space<semaphore_mem>>) src(%arg3 : memref<32xf32, #tpu.memory_space<hbm>>) dst(%dma_wait3A_160 : memref<32xf32, #tpu.memory_space<vmem>>)
      tpu.yield
    }) : () -> ()
    %iota3A = tpu.iota {dimensions = array<i32: 0>} : vector<16xi32>
    %add3A_3 = arith.constant 0 : i32
    %add3A_4 = vector.broadcast %add3A_3 : i32 to vector<16xi32>
    %add3A_5 = arith.addi %iota3A, %add3A_4 : vector<16xi32>
    %gather3A = tpu.vector_load_idx %arg5[%add3A_5] : memref<128xf32, #tpu.memory_space<vmem>>[vector<16xi32>], vector<16xf32>,
    %add3A_6 = arith.constant 1 : i32
    %add3A_7 = vector.broadcast %add3A_6 : i32 to vector<16xi32>
    %add3A_8 = arith.addi %add3A_5, %add3A_7 : vector<16xi32>
    %min3A = arith.constant 31 : i32
    %min3A_9 = vector.broadcast %min3A : i32 to vector<16xi32>
    %min3A_10 = arith.minsi %add3A_8, %min3A_9 : vector<16xi32>
    %gather3A_11 = tpu.vector_load_idx %arg5[%min3A_10] : memref<128xf32, #tpu.memory_space<vmem>>[vector<16xi32>], vector<16xf32>,
    %sub3A = arith.subf %gather3A_11, %gather3A : vector<16xf32>
    %mul3A_12 = arith.constant 3.100000e+01 : f32
    %mul3A_13 = vector.broadcast %mul3A_12 : f32 to vector<16xf32>
    %mul3A_14 = arith.mulf %sub3A, %mul3A_13 : vector<16xf32>
    %swap3A = arith.constant 0 : index
    %swap3A_15 = tpu.vector_load %arg7[%swap3A] {strides = array<i32>} : memref<128xf32, #tpu.memory_space<vmem>>, vector<16xf32>,
    tpu.vector_store %arg7[%swap3A], %mul3A_14 {strides = array<i32>} : memref<128xf32, #tpu.memory_space<vmem>>, vector<16xf32>,
    %convert_element_type3A = arith.sitofp %add3A_5 : vector<16xi32> to vector<16xf32>
    %mul3A_16 = arith.mulf %convert_element_type3A, %sub3A : vector<16xf32>
    %sub3A_17 = arith.subf %gather3A, %mul3A_16 : vector<16xf32>
    %swap3A_18 = arith.constant 0 : index
    %swap3A_19 = tpu.vector_load %arg6[%swap3A_18] {strides = array<i32>} : memref<128xf32, #tpu.memory_space<vmem>>, vector<16xf32>,
    tpu.vector_store %arg6[%swap3A_18], %sub3A_17 {strides = array<i32>} : memref<128xf32, #tpu.memory_space<vmem>>, vector<16xf32>,
    %iota3A_20 = tpu.iota {dimensions = array<i32: 0>} : vector<16xi32>
    %add3A_21 = arith.constant 16 : i32
    %add3A_22 = vector.broadcast %add3A_21 : i32 to vector<16xi32>
    %add3A_23 = arith.addi %iota3A_20, %add3A_22 : vector<16xi32>
    %gather3A_24 = tpu.vector_load_idx %arg5[%add3A_23] : memref<128xf32, #tpu.memory_space<vmem>>[vector<16xi32>], vector<16xf32>,
    %add3A_25 = arith.constant 1 : i32
    %add3A_26 = vector.broadcast %add3A_25 : i32 to vector<16xi32>
    %add3A_27 = arith.addi %add3A_23, %add3A_26 : vector<16xi32>
    %min3A_28 = arith.constant 31 : i32
    %min3A_29 = vector.broadcast %min3A_28 : i32 to vector<16xi32>
    %min3A_30 = arith.minsi %add3A_27, %min3A_29 : vector<16xi32>
    %gather3A_31 = tpu.vector_load_idx %arg5[%min3A_30] : memref<128xf32, #tpu.memory_space<vmem>>[vector<16xi32>], vector<16xf32>,
    %sub3A_32 = arith.subf %gather3A_31, %gather3A_24 : vector<16xf32>
    %mul3A_33 = arith.constant 3.100000e+01 : f32
    %mul3A_34 = vector.broadcast %mul3A_33 : f32 to vector<16xf32>
    %mul3A_35 = arith.mulf %sub3A_32, %mul3A_34 : vector<16xf32>
    %swap3A_36 = arith.constant 16 : index
    %swap3A_37 = tpu.vector_load %arg7[%swap3A_36] {strides = array<i32>} : memref<128xf32, #tpu.memory_space<vmem>>, vector<16xf32>,
    tpu.vector_store %arg7[%swap3A_36], %mul3A_35 {strides = array<i32>} : memref<128xf32, #tpu.memory_space<vmem>>, vector<16xf32>,
    %convert_element_type3A_38 = arith.sitofp %add3A_23 : vector<16xi32> to vector<16xf32>
    %mul3A_39 = arith.mulf %convert_element_type3A_38, %sub3A_32 : vector<16xf32>
    %sub3A_40 = arith.subf %gather3A_24, %mul3A_39 : vector<16xf32>
    %swap3A_41 = arith.constant 16 : index
    %swap3A_42 = tpu.vector_load %arg6[%swap3A_41] {strides = array<i32>} : memref<128xf32, #tpu.memory_space<vmem>>, vector<16xf32>,
    tpu.vector_store %arg6[%swap3A_41], %sub3A_40 {strides = array<i32>} : memref<128xf32, #tpu.memory_space<vmem>>, vector<16xf32>,
    %add3A_43 = arith.constant 0 : i32
    %add3A_44 = arith.addi %mul3A_2, %add3A_43 : i32
    %dma_start3A = arith.constant 0 : i32
    %dma_start3A_45 = tpu.memref_slice %arg2[%add3A_44, %dma_start3A] : memref<24576x512xf32, #tpu.memory_space<hbm>> -> memref<48x512xf32, #tpu.memory_space<hbm>>
    %dma_start3A_46 = arith.constant 0 : i32
    %dma_start3A_47 = tpu.memref_slice %arg2[%add3A_44, %dma_start3A_46] : memref<24576x512xf32, #tpu.memory_space<hbm>> -> memref<48x512xf32, #tpu.memory_space<hbm>>
    tpu.enqueue_dma source(%dma_start3A_47 : memref<48x512xf32, #tpu.memory_space<hbm>>) target(%arg8 : memref<48x512xf32, #tpu.memory_space<vmem>>) target_semaphore(%arg12 : memref<!tpu.dma_semaphore, #tpu.memory_space<semaphore_mem>>)
    %add3A_48 = arith.constant 48 : i32
    %add3A_49 = arith.addi %mul3A_2, %add3A_48 : i32
    %dma_start3A_50 = arith.constant 0 : i32
    %dma_start3A_51 = tpu.memref_slice %arg2[%add3A_49, %dma_start3A_50] : memref<24576x512xf32, #tpu.memory_space<hbm>> -> memref<48x512xf32, #tpu.memory_space<hbm>>
    %dma_start3A_52 = arith.constant 0 : i32
    %dma_start3A_53 = tpu.memref_slice %arg2[%add3A_49, %dma_start3A_52] : memref<24576x512xf32, #tpu.memory_space<hbm>> -> memref<48x512xf32, #tpu.memory_space<hbm>>
    tpu.enqueue_dma source(%dma_start3A_53 : memref<48x512xf32, #tpu.memory_space<hbm>>) target(%arg9 : memref<48x512xf32, #tpu.memory_space<vmem>>) target_semaphore(%arg13 : memref<!tpu.dma_semaphore, #tpu.memory_space<semaphore_mem>>)
    %add3A_54 = arith.constant 0 : i32
    %add3A_55 = arith.addi %mul3A_2, %add3A_54 : i32
    %dma_wait3A = arith.constant 0 : i32
    %dma_wait3A_56 = tpu.memref_slice %arg2[%add3A_55, %dma_wait3A] : memref<24576x512xf32, #tpu.memory_space<hbm>> -> memref<48x512xf32, #tpu.memory_space<hbm>>
    %dma_wait3A_57 = arith.constant 0 : i32
    %dma_wait3A_58 = tpu.memref_slice %arg2[%add3A_55, %dma_wait3A_57] : memref<24576x512xf32, #tpu.memory_space<hbm>> -> memref<48x512xf32, #tpu.memory_space<hbm>>
    tpu.wait_dma2 semaphore(%arg12 : memref<!tpu.dma_semaphore, #tpu.memory_space<semaphore_mem>>) src(%dma_wait3A_58 : memref<48x512xf32, #tpu.memory_space<hbm>>) dst(%arg8 : memref<48x512xf32, #tpu.memory_space<vmem>>)
    %parallel_loop3A = arith.constant 0 : i32
    %parallel_loop3A_59 = arith.constant 24576 : i32
    %parallel_loop3A_60 = arith.constant 16 : i32
    scf.for %parallel_loop3A_153 = %parallel_loop3A to %parallel_loop3A_59 step %parallel_loop3A_60  : i32 {
      %parallel_loop3A_154 = arith.constant 9 : i32
      %parallel_loop3A_155 = arith.shrui %parallel_loop3A_153, %parallel_loop3A_154 : i32
      %parallel_loop3A_156 = arith.constant 511 : i32
      %parallel_loop3A_157 = arith.andi %parallel_loop3A_153, %parallel_loop3A_156 : i32
      %parallel_loop3A_158 = arith.index_cast %parallel_loop3A_155 : i32 to index
      %parallel_loop3A_159 = arith.index_cast %parallel_loop3A_157 : i32 to index
      %parallel_loop3A_160 = tpu.vector_load %arg8[%parallel_loop3A_158, %parallel_loop3A_159] {strides = array<i32>} : memref<48x512xf32, #tpu.memory_space<vmem>>, vector<16xf32>,
      %parallel_loop3A_161 = arith.constant 3.100000e+01 : f32
      %parallel_loop3A_162 = vector.broadcast %parallel_loop3A_161 : f32 to vector<16xf32>
      %parallel_loop3A_163 = arith.mulf %parallel_loop3A_160, %parallel_loop3A_162 : vector<16xf32>
      %parallel_loop3A_164 = arith.fptosi %parallel_loop3A_163 : vector<16xf32> to vector<16xi32>
      %parallel_loop3A_165 = arith.constant 0 : i32
      %parallel_loop3A_166 = arith.constant 30 : i32
      %parallel_loop3A_167 = vector.broadcast %parallel_loop3A_165 : i32 to vector<16xi32>
      %parallel_loop3A_168 = arith.maxsi %parallel_loop3A_167, %parallel_loop3A_164 : vector<16xi32>
      %parallel_loop3A_169 = vector.broadcast %parallel_loop3A_166 : i32 to vector<16xi32>
      %parallel_loop3A_170 = arith.minsi %parallel_loop3A_169, %parallel_loop3A_168 : vector<16xi32>
      %parallel_loop3A_171 = tpu.vector_load_idx %arg6[%parallel_loop3A_170] : memref<128xf32, #tpu.memory_space<vmem>>[vector<16xi32>], vector<16xf32>,
      %parallel_loop3A_172 = tpu.vector_load_idx %arg7[%parallel_loop3A_170] : memref<128xf32, #tpu.memory_space<vmem>>[vector<16xi32>], vector<16xf32>,
      %parallel_loop3A_173 = arith.mulf %parallel_loop3A_172, %parallel_loop3A_160 : vector<16xf32>
      %parallel_loop3A_174 = arith.addf %parallel_loop3A_171, %parallel_loop3A_173 : vector<16xf32>
      %parallel_loop3A_175 = arith.index_cast %parallel_loop3A_155 : i32 to index
      %parallel_loop3A_176 = arith.index_cast %parallel_loop3A_157 : i32 to index
      %parallel_loop3A_177 = tpu.vector_load %arg10[%parallel_loop3A_175, %parallel_loop3A_176] {strides = array<i32>} : memref<48x512xf32, #tpu.memory_space<vmem>>, vector<16xf32>,
      tpu.vector_store %arg10[%parallel_loop3A_175, %parallel_loop3A_176], %parallel_loop3A_174 {strides = array<i32>} : memref<48x512xf32, #tpu.memory_space<vmem>>, vector<16xf32>,
    } {sc.loop_unroll_factor = 4 : i64, sc.parallel_access}
    %add3A_61 = arith.constant 0 : i32
    %add3A_62 = arith.addi %mul3A_2, %add3A_61 : i32
    %dma_start3A_63 = arith.constant 0 : i32
    %dma_start3A_64 = tpu.memref_slice %arg4[%add3A_62, %dma_start3A_63] : memref<24576x512xf32, #tpu.memory_space<hbm>> -> memref<48x512xf32, #tpu.memory_space<hbm>>
    %dma_start3A_65 = arith.constant 0 : i32
    %dma_start3A_66 = tpu.memref_slice %arg4[%add3A_62, %dma_start3A_65] : memref<24576x512xf32, #tpu.memory_space<hbm>> -> memref<48x512xf32, #tpu.memory_space<hbm>>
    tpu.enqueue_dma source(%arg10 : memref<48x512xf32, #tpu.memory_space<vmem>>) target(%dma_start3A_66 : memref<48x512xf32, #tpu.memory_space<hbm>>) target_semaphore(%arg14 : memref<!tpu.dma_semaphore, #tpu.memory_space<semaphore_mem>>)
    %add3A_67 = arith.constant 96 : i32
    %add3A_68 = arith.addi %mul3A_2, %add3A_67 : i32
    %dma_start3A_69 = arith.constant 0 : i32
    %dma_start3A_70 = tpu.memref_slice %arg2[%add3A_68, %dma_start3A_69] : memref<24576x512xf32, #tpu.memory_space<hbm>> -> memref<48x512xf32, #tpu.memory_space<hbm>>
    %dma_start3A_71 = arith.constant 0 : i32
    %dma_start3A_72 = tpu.memref_slice %arg2[%add3A_68, %dma_start3A_71] : memref<24576x512xf32, #tpu.memory_space<hbm>> -> memref<48x512xf32, #tpu.memory_space<hbm>>
    tpu.enqueue_dma source(%dma_start3A_72 : memref<48x512xf32, #tpu.memory_space<hbm>>) target(%arg8 : memref<48x512xf32, #tpu.memory_space<vmem>>) target_semaphore(%arg12 : memref<!tpu.dma_semaphore, #tpu.memory_space<semaphore_mem>>)
    %add3A_73 = arith.constant 48 : i32
    %add3A_74 = arith.addi %mul3A_2, %add3A_73 : i32
    %dma_wait3A_75 = arith.constant 0 : i32
    %dma_wait3A_76 = tpu.memref_slice %arg2[%add3A_74, %dma_wait3A_75] : memref<24576x512xf32, #tpu.memory_space<hbm>> -> memref<48x512xf32, #tpu.memory_space<hbm>>
    %dma_wait3A_77 = arith.constant 0 : i32
    %dma_wait3A_78 = tpu.memref_slice %arg2[%add3A_74, %dma_wait3A_77] : memref<24576x512xf32, #tpu.memory_space<hbm>> -> memref<48x512xf32, #tpu.memory_space<hbm>>
    tpu.wait_dma2 semaphore(%arg13 : memref<!tpu.dma_semaphore, #tpu.memory_space<semaphore_mem>>) src(%dma_wait3A_78 : memref<48x512xf32, #tpu.memory_space<hbm>>) dst(%arg9 : memref<48x512xf32, #tpu.memory_space<vmem>>)
    %parallel_loop3A_79 = arith.constant 0 : i32
    %parallel_loop3A_80 = arith.constant 24576 : i32
    %parallel_loop3A_81 = arith.constant 16 : i32
    scf.for %parallel_loop3A_153 = %parallel_loop3A_79 to %parallel_loop3A_80 step %parallel_loop3A_81  : i32 {
      %parallel_loop3A_154 = arith.constant 9 : i32
      %parallel_loop3A_155 = arith.shrui %parallel_loop3A_153, %parallel_loop3A_154 : i32
      %parallel_loop3A_156 = arith.constant 511 : i32
      %parallel_loop3A_157 = arith.andi %parallel_loop3A_153, %parallel_loop3A_156 : i32
      %parallel_loop3A_158 = arith.index_cast %parallel_loop3A_155 : i32 to index
      %parallel_loop3A_159 = arith.index_cast %parallel_loop3A_157 : i32 to index
      %parallel_loop3A_160 = tpu.vector_load %arg9[%parallel_loop3A_158, %parallel_loop3A_159] {strides = array<i32>} : memref<48x512xf32, #tpu.memory_space<vmem>>, vector<16xf32>,
      %parallel_loop3A_161 = arith.constant 3.100000e+01 : f32
      %parallel_loop3A_162 = vector.broadcast %parallel_loop3A_161 : f32 to vector<16xf32>
      %parallel_loop3A_163 = arith.mulf %parallel_loop3A_160, %parallel_loop3A_162 : vector<16xf32>
      %parallel_loop3A_164 = arith.fptosi %parallel_loop3A_163 : vector<16xf32> to vector<16xi32>
      %parallel_loop3A_165 = arith.constant 0 : i32
      %parallel_loop3A_166 = arith.constant 30 : i32
      %parallel_loop3A_167 = vector.broadcast %parallel_loop3A_165 : i32 to vector<16xi32>
      %parallel_loop3A_168 = arith.maxsi %parallel_loop3A_167, %parallel_loop3A_164 : vector<16xi32>
      %parallel_loop3A_169 = vector.broadcast %parallel_loop3A_166 : i32 to vector<16xi32>
      %parallel_loop3A_170 = arith.minsi %parallel_loop3A_169, %parallel_loop3A_168 : vector<16xi32>
      %parallel_loop3A_171 = tpu.vector_load_idx %arg6[%parallel_loop3A_170] : memref<128xf32, #tpu.memory_space<vmem>>[vector<16xi32>], vector<16xf32>,
      %parallel_loop3A_172 = tpu.vector_load_idx %arg7[%parallel_loop3A_170] : memref<128xf32, #tpu.memory_space<vmem>>[vector<16xi32>], vector<16xf32>,
      %parallel_loop3A_173 = arith.mulf %parallel_loop3A_172, %parallel_loop3A_160 : vector<16xf32>
      %parallel_loop3A_174 = arith.addf %parallel_loop3A_171, %parallel_loop3A_173 : vector<16xf32>
      %parallel_loop3A_175 = arith.index_cast %parallel_loop3A_155 : i32 to index
      %parallel_loop3A_176 = arith.index_cast %parallel_loop3A_157 : i32 to index
      %parallel_loop3A_177 = tpu.vector_load %arg11[%parallel_loop3A_175, %parallel_loop3A_176] {strides = array<i32>} : memref<48x512xf32, #tpu.memory_space<vmem>>, vector<16xf32>,
      tpu.vector_store %arg11[%parallel_loop3A_175, %parallel_loop3A_176], %parallel_loop3A_174 {strides = array<i32>} : memref<48x512xf32, #tpu.memory_space<vmem>>, vector<16xf32>,
    } {sc.loop_unroll_factor = 4 : i64, sc.parallel_access}
    %add3A_82 = arith.constant 48 : i32
    %add3A_83 = arith.addi %mul3A_2, %add3A_82 : i32
    %dma_start3A_84 = arith.constant 0 : i32
    %dma_start3A_85 = tpu.memref_slice %arg4[%add3A_83, %dma_start3A_84] : memref<24576x512xf32, #tpu.memory_space<hbm>> -> memref<48x512xf32, #tpu.memory_space<hbm>>
    %dma_start3A_86 = arith.constant 0 : i32
    %dma_start3A_87 = tpu.memref_slice %arg4[%add3A_83, %dma_start3A_86] : memref<24576x512xf32, #tpu.memory_space<hbm>> -> memref<48x512xf32, #tpu.memory_space<hbm>>
    tpu.enqueue_dma source(%arg11 : memref<48x512xf32, #tpu.memory_space<vmem>>) target(%dma_start3A_87 : memref<48x512xf32, #tpu.memory_space<hbm>>) target_semaphore(%arg15 : memref<!tpu.dma_semaphore, #tpu.memory_space<semaphore_mem>>)
    %add3A_88 = arith.constant 144 : i32
    %add3A_89 = arith.addi %mul3A_2, %add3A_88 : i32
    %dma_start3A_90 = arith.constant 0 : i32
    %dma_start3A_91 = tpu.memref_slice %arg2[%add3A_89, %dma_start3A_90] : memref<24576x512xf32, #tpu.memory_space<hbm>> -> memref<48x512xf32, #tpu.memory_space<hbm>>
    %dma_start3A_92 = arith.constant 0 : i32
    %dma_start3A_93 = tpu.memref_slice %arg2[%add3A_89, %dma_start3A_92] : memref<24576x512xf32, #tpu.memory_space<hbm>> -> memref<48x512xf32, #tpu.memory_space<hbm>>
    tpu.enqueue_dma source(%dma_start3A_93 : memref<48x512xf32, #tpu.memory_space<hbm>>) target(%arg9 : memref<48x512xf32, #tpu.memory_space<vmem>>) target_semaphore(%arg13 : memref<!tpu.dma_semaphore, #tpu.memory_space<semaphore_mem>>)
    %scan3A = arith.constant 0 : i32
    %scan3A_94 = arith.constant 1 : i32
    %scan3A_95 = arith.constant 6 : i32
    %scan3A_96 = arith.addi %scan3A_94, %scan3A_95 : i32
    %scan3A_97 = arith.constant 1 : i32
    scf.for %scan3A_153 = %scan3A_94 to %scan3A_96 step %scan3A_97  : i32 {
      %mul3A_154 = arith.constant 2 : i32
      %mul3A_155 = arith.muli %mul3A_154, %scan3A_153 : i32
      %add3A_156 = arith.constant 0 : i32
      %add3A_157 = arith.addi %mul3A_155, %add3A_156 : i32
      %sub3A_158 = arith.constant 2 : i32
      %sub3A_159 = arith.subi %add3A_157, %sub3A_158 : i32
      %mul3A_160 = arith.constant 48 : i32
      %mul3A_161 = arith.muli %sub3A_159, %mul3A_160 : i32
      %add3A_162 = arith.addi %mul3A_2, %mul3A_161 : i32
      %dma_wait3A_163 = arith.constant 0 : i32
      %dma_wait3A_164 = tpu.memref_slice %arg4[%add3A_162, %dma_wait3A_163] : memref<24576x512xf32, #tpu.memory_space<hbm>> -> memref<48x512xf32, #tpu.memory_space<hbm>>
      %dma_wait3A_165 = arith.constant 0 : i32
      %dma_wait3A_166 = tpu.memref_slice %arg4[%add3A_162, %dma_wait3A_165] : memref<24576x512xf32, #tpu.memory_space<hbm>> -> memref<48x512xf32, #tpu.memory_space<hbm>>
      tpu.wait_dma2 semaphore(%arg14 : memref<!tpu.dma_semaphore, #tpu.memory_space<semaphore_mem>>) src(%arg10 : memref<48x512xf32, #tpu.memory_space<vmem>>) dst(%dma_wait3A_166 : memref<48x512xf32, #tpu.memory_space<hbm>>)
      %mul3A_167 = arith.constant 48 : i32
      %mul3A_168 = arith.muli %add3A_157, %mul3A_167 : i32
      %add3A_169 = arith.addi %mul3A_2, %mul3A_168 : i32
      %dma_wait3A_170 = arith.constant 0 : i32
      %dma_wait3A_171 = tpu.memref_slice %arg2[%add3A_169, %dma_wait3A_170] : memref<24576x512xf32, #tpu.memory_space<hbm>> -> memref<48x512xf32, #tpu.memory_space<hbm>>
      %dma_wait3A_172 = arith.constant 0 : i32
      %dma_wait3A_173 = tpu.memref_slice %arg2[%add3A_169, %dma_wait3A_172] : memref<24576x512xf32, #tpu.memory_space<hbm>> -> memref<48x512xf32, #tpu.memory_space<hbm>>
      tpu.wait_dma2 semaphore(%arg12 : memref<!tpu.dma_semaphore, #tpu.memory_space<semaphore_mem>>) src(%dma_wait3A_173 : memref<48x512xf32, #tpu.memory_space<hbm>>) dst(%arg8 : memref<48x512xf32, #tpu.memory_space<vmem>>)
      %parallel_loop3A_174 = arith.constant 0 : i32
      %parallel_loop3A_175 = arith.constant 24576 : i32
      %parallel_loop3A_176 = arith.constant 16 : i32
      scf.for %parallel_loop3A_232 = %parallel_loop3A_174 to %parallel_loop3A_175 step %parallel_loop3A_176  : i32 {
        %parallel_loop3A_233 = arith.constant 9 : i32
        %parallel_loop3A_234 = arith.shrui %parallel_loop3A_232, %parallel_loop3A_233 : i32
        %parallel_loop3A_235 = arith.constant 511 : i32
        %parallel_loop3A_236 = arith.andi %parallel_loop3A_232, %parallel_loop3A_235 : i32
        %parallel_loop3A_237 = arith.index_cast %parallel_loop3A_234 : i32 to index
        %parallel_loop3A_238 = arith.index_cast %parallel_loop3A_236 : i32 to index
        %parallel_loop3A_239 = tpu.vector_load %arg8[%parallel_loop3A_237, %parallel_loop3A_238] {strides = array<i32>} : memref<48x512xf32, #tpu.memory_space<vmem>>, vector<16xf32>,
        %parallel_loop3A_240 = arith.constant 3.100000e+01 : f32
        %parallel_loop3A_241 = vector.broadcast %parallel_loop3A_240 : f32 to vector<16xf32>
        %parallel_loop3A_242 = arith.mulf %parallel_loop3A_239, %parallel_loop3A_241 : vector<16xf32>
        %parallel_loop3A_243 = arith.fptosi %parallel_loop3A_242 : vector<16xf32> to vector<16xi32>
        %parallel_loop3A_244 = arith.constant 0 : i32
        %parallel_loop3A_245 = arith.constant 30 : i32
        %parallel_loop3A_246 = vector.broadcast %parallel_loop3A_244 : i32 to vector<16xi32>
        %parallel_loop3A_247 = arith.maxsi %parallel_loop3A_246, %parallel_loop3A_243 : vector<16xi32>
        %parallel_loop3A_248 = vector.broadcast %parallel_loop3A_245 : i32 to vector<16xi32>
        %parallel_loop3A_249 = arith.minsi %parallel_loop3A_248, %parallel_loop3A_247 : vector<16xi32>
        %parallel_loop3A_250 = tpu.vector_load_idx %arg6[%parallel_loop3A_249] : memref<128xf32, #tpu.memory_space<vmem>>[vector<16xi32>], vector<16xf32>,
        %parallel_loop3A_251 = tpu.vector_load_idx %arg7[%parallel_loop3A_249] : memref<128xf32, #tpu.memory_space<vmem>>[vector<16xi32>], vector<16xf32>,
        %parallel_loop3A_252 = arith.mulf %parallel_loop3A_251, %parallel_loop3A_239 : vector<16xf32>
        %parallel_loop3A_253 = arith.addf %parallel_loop3A_250, %parallel_loop3A_252 : vector<16xf32>
        %parallel_loop3A_254 = arith.index_cast %parallel_loop3A_234 : i32 to index
        %parallel_loop3A_255 = arith.index_cast %parallel_loop3A_236 : i32 to index
        %parallel_loop3A_256 = tpu.vector_load %arg10[%parallel_loop3A_254, %parallel_loop3A_255] {strides = array<i32>} : memref<48x512xf32, #tpu.memory_space<vmem>>, vector<16xf32>,
        tpu.vector_store %arg10[%parallel_loop3A_254, %parallel_loop3A_255], %parallel_loop3A_253 {strides = array<i32>} : memref<48x512xf32, #tpu.memory_space<vmem>>, vector<16xf32>,
      } {sc.loop_unroll_factor = 4 : i64, sc.parallel_access}
      %mul3A_177 = arith.constant 48 : i32
      %mul3A_178 = arith.muli %add3A_157, %mul3A_177 : i32
      %add3A_179 = arith.addi %mul3A_2, %mul3A_178 : i32
      %dma_start3A_180 = arith.constant 0 : i32
      %dma_start3A_181 = tpu.memref_slice %arg4[%add3A_179, %dma_start3A_180] : memref<24576x512xf32, #tpu.memory_space<hbm>> -> memref<48x512xf32, #tpu.memory_space<hbm>>
      %dma_start3A_182 = arith.constant 0 : i32
      %dma_start3A_183 = tpu.memref_slice %arg4[%add3A_179, %dma_start3A_182] : memref<24576x512xf32, #tpu.memory_space<hbm>> -> memref<48x512xf32, #tpu.memory_space<hbm>>
      tpu.enqueue_dma source(%arg10 : memref<48x512xf32, #tpu.memory_space<vmem>>) target(%dma_start3A_183 : memref<48x512xf32, #tpu.memory_space<hbm>>) target_semaphore(%arg14 : memref<!tpu.dma_semaphore, #tpu.memory_space<semaphore_mem>>)
      %add3A_184 = arith.constant 2 : i32
      %add3A_185 = arith.addi %add3A_157, %add3A_184 : i32
      %mul3A_186 = arith.constant 48 : i32
      %mul3A_187 = arith.muli %add3A_185, %mul3A_186 : i32
      %add3A_188 = arith.addi %mul3A_2, %mul3A_187 : i32
      %dma_start3A_189 = arith.constant 0 : i32
      %dma_start3A_190 = tpu.memref_slice %arg2[%add3A_188, %dma_start3A_189] : memref<24576x512xf32, #tpu.memory_space<hbm>> -> memref<48x512xf32, #tpu.memory_space<hbm>>
      %dma_start3A_191 = arith.constant 0 : i32
      %dma_start3A_192 = tpu.memref_slice %arg2[%add3A_188, %dma_start3A_191] : memref<24576x512xf32, #tpu.memory_space<hbm>> -> memref<48x512xf32, #tpu.memory_space<hbm>>
      tpu.enqueue_dma source(%dma_start3A_192 : memref<48x512xf32, #tpu.memory_space<hbm>>) target(%arg8 : memref<48x512xf32, #tpu.memory_space<vmem>>) target_semaphore(%arg12 : memref<!tpu.dma_semaphore, #tpu.memory_space<semaphore_mem>>)
      %mul3A_193 = arith.constant 2 : i32
      %mul3A_194 = arith.muli %mul3A_193, %scan3A_153 : i32
      %add3A_195 = arith.constant 1 : i32
      %add3A_196 = arith.addi %mul3A_194, %add3A_195 : i32
      %sub3A_197 = arith.constant 2 : i32
      %sub3A_198 = arith.subi %add3A_196, %sub3A_197 : i32
      %mul3A_199 = arith.constant 48 : i32
      %mul3A_200 = arith.muli %sub3A_198, %mul3A_199 : i32
      %add3A_201 = arith.addi %mul3A_2, %mul3A_200 : i32
      %dma_wait3A_202 = arith.constant 0 : i32
      %dma_wait3A_203 = tpu.memref_slice %arg4[%add3A_201, %dma_wait3A_202] : memref<24576x512xf32, #tpu.memory_space<hbm>> -> memref<48x512xf32, #tpu.memory_space<hbm>>
      %dma_wait3A_204 = arith.constant 0 : i32
      %dma_wait3A_205 = tpu.memref_slice %arg4[%add3A_201, %dma_wait3A_204] : memref<24576x512xf32, #tpu.memory_space<hbm>> -> memref<48x512xf32, #tpu.memory_space<hbm>>
      tpu.wait_dma2 semaphore(%arg15 : memref<!tpu.dma_semaphore, #tpu.memory_space<semaphore_mem>>) src(%arg11 : memref<48x512xf32, #tpu.memory_space<vmem>>) dst(%dma_wait3A_205 : memref<48x512xf32, #tpu.memory_space<hbm>>)
      %mul3A_206 = arith.constant 48 : i32
      %mul3A_207 = arith.muli %add3A_196, %mul3A_206 : i32
      %add3A_208 = arith.addi %mul3A_2, %mul3A_207 : i32
      %dma_wait3A_209 = arith.constant 0 : i32
      %dma_wait3A_210 = tpu.memref_slice %arg2[%add3A_208, %dma_wait3A_209] : memref<24576x512xf32, #tpu.memory_space<hbm>> -> memref<48x512xf32, #tpu.memory_space<hbm>>
      %dma_wait3A_211 = arith.constant 0 : i32
      %dma_wait3A_212 = tpu.memref_slice %arg2[%add3A_208, %dma_wait3A_211] : memref<24576x512xf32, #tpu.memory_space<hbm>> -> memref<48x512xf32, #tpu.memory_space<hbm>>
      tpu.wait_dma2 semaphore(%arg13 : memref<!tpu.dma_semaphore, #tpu.memory_space<semaphore_mem>>) src(%dma_wait3A_212 : memref<48x512xf32, #tpu.memory_space<hbm>>) dst(%arg9 : memref<48x512xf32, #tpu.memory_space<vmem>>)
      %parallel_loop3A_213 = arith.constant 0 : i32
      %parallel_loop3A_214 = arith.constant 24576 : i32
      %parallel_loop3A_215 = arith.constant 16 : i32
      scf.for %parallel_loop3A_232 = %parallel_loop3A_213 to %parallel_loop3A_214 step %parallel_loop3A_215  : i32 {
        %parallel_loop3A_233 = arith.constant 9 : i32
        %parallel_loop3A_234 = arith.shrui %parallel_loop3A_232, %parallel_loop3A_233 : i32
        %parallel_loop3A_235 = arith.constant 511 : i32
        %parallel_loop3A_236 = arith.andi %parallel_loop3A_232, %parallel_loop3A_235 : i32
        %parallel_loop3A_237 = arith.index_cast %parallel_loop3A_234 : i32 to index
        %parallel_loop3A_238 = arith.index_cast %parallel_loop3A_236 : i32 to index
        %parallel_loop3A_239 = tpu.vector_load %arg9[%parallel_loop3A_237, %parallel_loop3A_238] {strides = array<i32>} : memref<48x512xf32, #tpu.memory_space<vmem>>, vector<16xf32>,
        %parallel_loop3A_240 = arith.constant 3.100000e+01 : f32
        %parallel_loop3A_241 = vector.broadcast %parallel_loop3A_240 : f32 to vector<16xf32>
        %parallel_loop3A_242 = arith.mulf %parallel_loop3A_239, %parallel_loop3A_241 : vector<16xf32>
        %parallel_loop3A_243 = arith.fptosi %parallel_loop3A_242 : vector<16xf32> to vector<16xi32>
        %parallel_loop3A_244 = arith.constant 0 : i32
        %parallel_loop3A_245 = arith.constant 30 : i32
        %parallel_loop3A_246 = vector.broadcast %parallel_loop3A_244 : i32 to vector<16xi32>
        %parallel_loop3A_247 = arith.maxsi %parallel_loop3A_246, %parallel_loop3A_243 : vector<16xi32>
        %parallel_loop3A_248 = vector.broadcast %parallel_loop3A_245 : i32 to vector<16xi32>
        %parallel_loop3A_249 = arith.minsi %parallel_loop3A_248, %parallel_loop3A_247 : vector<16xi32>
        %parallel_loop3A_250 = tpu.vector_load_idx %arg6[%parallel_loop3A_249] : memref<128xf32, #tpu.memory_space<vmem>>[vector<16xi32>], vector<16xf32>,
        %parallel_loop3A_251 = tpu.vector_load_idx %arg7[%parallel_loop3A_249] : memref<128xf32, #tpu.memory_space<vmem>>[vector<16xi32>], vector<16xf32>,
        %parallel_loop3A_252 = arith.mulf %parallel_loop3A_251, %parallel_loop3A_239 : vector<16xf32>
        %parallel_loop3A_253 = arith.addf %parallel_loop3A_250, %parallel_loop3A_252 : vector<16xf32>
        %parallel_loop3A_254 = arith.index_cast %parallel_loop3A_234 : i32 to index
        %parallel_loop3A_255 = arith.index_cast %parallel_loop3A_236 : i32 to index
        %parallel_loop3A_256 = tpu.vector_load %arg11[%parallel_loop3A_254, %parallel_loop3A_255] {strides = array<i32>} : memref<48x512xf32, #tpu.memory_space<vmem>>, vector<16xf32>,
        tpu.vector_store %arg11[%parallel_loop3A_254, %parallel_loop3A_255], %parallel_loop3A_253 {strides = array<i32>} : memref<48x512xf32, #tpu.memory_space<vmem>>, vector<16xf32>,
      } {sc.loop_unroll_factor = 4 : i64, sc.parallel_access}
      %mul3A_216 = arith.constant 48 : i32
      %mul3A_217 = arith.muli %add3A_196, %mul3A_216 : i32
      %add3A_218 = arith.addi %mul3A_2, %mul3A_217 : i32
      %dma_start3A_219 = arith.constant 0 : i32
      %dma_start3A_220 = tpu.memref_slice %arg4[%add3A_218, %dma_start3A_219] : memref<24576x512xf32, #tpu.memory_space<hbm>> -> memref<48x512xf32, #tpu.memory_space<hbm>>
      %dma_start3A_221 = arith.constant 0 : i32
      %dma_start3A_222 = tpu.memref_slice %arg4[%add3A_218, %dma_start3A_221] : memref<24576x512xf32, #tpu.memory_space<hbm>> -> memref<48x512xf32, #tpu.memory_space<hbm>>
      tpu.enqueue_dma source(%arg11 : memref<48x512xf32, #tpu.memory_space<vmem>>) target(%dma_start3A_222 : memref<48x512xf32, #tpu.memory_space<hbm>>) target_semaphore(%arg15 : memref<!tpu.dma_semaphore, #tpu.memory_space<semaphore_mem>>)
      %add3A_223 = arith.constant 2 : i32
      %add3A_224 = arith.addi %add3A_196, %add3A_223 : i32
      %mul3A_225 = arith.constant 48 : i32
      %mul3A_226 = arith.muli %add3A_224, %mul3A_225 : i32
      %add3A_227 = arith.addi %mul3A_2, %mul3A_226 : i32
      %dma_start3A_228 = arith.constant 0 : i32
      %dma_start3A_229 = tpu.memref_slice %arg2[%add3A_227, %dma_start3A_228] : memref<24576x512xf32, #tpu.memory_space<hbm>> -> memref<48x512xf32, #tpu.memory_space<hbm>>
      %dma_start3A_230 = arith.constant 0 : i32
      %dma_start3A_231 = tpu.memref_slice %arg2[%add3A_227, %dma_start3A_230] : memref<24576x512xf32, #tpu.memory_space<hbm>> -> memref<48x512xf32, #tpu.memory_space<hbm>>
      tpu.enqueue_dma source(%dma_start3A_231 : memref<48x512xf32, #tpu.memory_space<hbm>>) target(%arg9 : memref<48x512xf32, #tpu.memory_space<vmem>>) target_semaphore(%arg13 : memref<!tpu.dma_semaphore, #tpu.memory_space<semaphore_mem>>)
    }
    %scan3A_98 = arith.constant 6 : i32
    %add3A_99 = arith.constant 576 : i32
    %add3A_100 = arith.addi %mul3A_2, %add3A_99 : i32
    %dma_wait3A_101 = arith.constant 0 : i32
    %dma_wait3A_102 = tpu.memref_slice %arg4[%add3A_100, %dma_wait3A_101] : memref<24576x512xf32, #tpu.memory_space<hbm>> -> memref<48x512xf32, #tpu.memory_space<hbm>>
    %dma_wait3A_103 = arith.constant 0 : i32
    %dma_wait3A_104 = tpu.memref_slice %arg4[%add3A_100, %dma_wait3A_103] : memref<24576x512xf32, #tpu.memory_space<hbm>> -> memref<48x512xf32, #tpu.memory_space<hbm>>
    tpu.wait_dma2 semaphore(%arg14 : memref<!tpu.dma_semaphore, #tpu.memory_space<semaphore_mem>>) src(%arg10 : memref<48x512xf32, #tpu.memory_space<vmem>>) dst(%dma_wait3A_104 : memref<48x512xf32, #tpu.memory_space<hbm>>)
    %add3A_105 = arith.constant 672 : i32
    %add3A_106 = arith.addi %mul3A_2, %add3A_105 : i32
    %dma_wait3A_107 = arith.constant 0 : i32
    %dma_wait3A_108 = tpu.memref_slice %arg2[%add3A_106, %dma_wait3A_107] : memref<24576x512xf32, #tpu.memory_space<hbm>> -> memref<48x512xf32, #tpu.memory_space<hbm>>
    %dma_wait3A_109 = arith.constant 0 : i32
    %dma_wait3A_110 = tpu.memref_slice %arg2[%add3A_106, %dma_wait3A_109] : memref<24576x512xf32, #tpu.memory_space<hbm>> -> memref<48x512xf32, #tpu.memory_space<hbm>>
    tpu.wait_dma2 semaphore(%arg12 : memref<!tpu.dma_semaphore, #tpu.memory_space<semaphore_mem>>) src(%dma_wait3A_110 : memref<48x512xf32, #tpu.memory_space<hbm>>) dst(%arg8 : memref<48x512xf32, #tpu.memory_space<vmem>>)
    %parallel_loop3A_111 = arith.constant 0 : i32
    %parallel_loop3A_112 = arith.constant 24576 : i32
    %parallel_loop3A_113 = arith.constant 16 : i32
    scf.for %parallel_loop3A_153 = %parallel_loop3A_111 to %parallel_loop3A_112 step %parallel_loop3A_113  : i32 {
      %parallel_loop3A_154 = arith.constant 9 : i32
      %parallel_loop3A_155 = arith.shrui %parallel_loop3A_153, %parallel_loop3A_154 : i32
      %parallel_loop3A_156 = arith.constant 511 : i32
      %parallel_loop3A_157 = arith.andi %parallel_loop3A_153, %parallel_loop3A_156 : i32
      %parallel_loop3A_158 = arith.index_cast %parallel_loop3A_155 : i32 to index
      %parallel_loop3A_159 = arith.index_cast %parallel_loop3A_157 : i32 to index
      %parallel_loop3A_160 = tpu.vector_load %arg8[%parallel_loop3A_158, %parallel_loop3A_159] {strides = array<i32>} : memref<48x512xf32, #tpu.memory_space<vmem>>, vector<16xf32>,
      %parallel_loop3A_161 = arith.constant 3.100000e+01 : f32
      %parallel_loop3A_162 = vector.broadcast %parallel_loop3A_161 : f32 to vector<16xf32>
      %parallel_loop3A_163 = arith.mulf %parallel_loop3A_160, %parallel_loop3A_162 : vector<16xf32>
      %parallel_loop3A_164 = arith.fptosi %parallel_loop3A_163 : vector<16xf32> to vector<16xi32>
      %parallel_loop3A_165 = arith.constant 0 : i32
      %parallel_loop3A_166 = arith.constant 30 : i32
      %parallel_loop3A_167 = vector.broadcast %parallel_loop3A_165 : i32 to vector<16xi32>
      %parallel_loop3A_168 = arith.maxsi %parallel_loop3A_167, %parallel_loop3A_164 : vector<16xi32>
      %parallel_loop3A_169 = vector.broadcast %parallel_loop3A_166 : i32 to vector<16xi32>
      %parallel_loop3A_170 = arith.minsi %parallel_loop3A_169, %parallel_loop3A_168 : vector<16xi32>
      %parallel_loop3A_171 = tpu.vector_load_idx %arg6[%parallel_loop3A_170] : memref<128xf32, #tpu.memory_space<vmem>>[vector<16xi32>], vector<16xf32>,
      %parallel_loop3A_172 = tpu.vector_load_idx %arg7[%parallel_loop3A_170] : memref<128xf32, #tpu.memory_space<vmem>>[vector<16xi32>], vector<16xf32>,
      %parallel_loop3A_173 = arith.mulf %parallel_loop3A_172, %parallel_loop3A_160 : vector<16xf32>
      %parallel_loop3A_174 = arith.addf %parallel_loop3A_171, %parallel_loop3A_173 : vector<16xf32>
      %parallel_loop3A_175 = arith.index_cast %parallel_loop3A_155 : i32 to index
      %parallel_loop3A_176 = arith.index_cast %parallel_loop3A_157 : i32 to index
      %parallel_loop3A_177 = tpu.vector_load %arg10[%parallel_loop3A_175, %parallel_loop3A_176] {strides = array<i32>} : memref<48x512xf32, #tpu.memory_space<vmem>>, vector<16xf32>,
      tpu.vector_store %arg10[%parallel_loop3A_175, %parallel_loop3A_176], %parallel_loop3A_174 {strides = array<i32>} : memref<48x512xf32, #tpu.memory_space<vmem>>, vector<16xf32>,
    } {sc.loop_unroll_factor = 4 : i64, sc.parallel_access}
    %add3A_114 = arith.constant 672 : i32
    %add3A_115 = arith.addi %mul3A_2, %add3A_114 : i32
    %dma_start3A_116 = arith.constant 0 : i32
    %dma_start3A_117 = tpu.memref_slice %arg4[%add3A_115, %dma_start3A_116] : memref<24576x512xf32, #tpu.memory_space<hbm>> -> memref<48x512xf32, #tpu.memory_space<hbm>>
    %dma_start3A_118 = arith.constant 0 : i32
    %dma_start3A_119 = tpu.memref_slice %arg4[%add3A_115, %dma_start3A_118] : memref<24576x512xf32, #tpu.memory_space<hbm>> -> memref<48x512xf32, #tpu.memory_space<hbm>>
    tpu.enqueue_dma source(%arg10 : memref<48x512xf32, #tpu.memory_space<vmem>>) target(%dma_start3A_119 : memref<48x512xf32, #tpu.memory_space<hbm>>) target_semaphore(%arg14 : memref<!tpu.dma_semaphore, #tpu.memory_space<semaphore_mem>>)
    %add3A_120 = arith.constant 624 : i32
    %add3A_121 = arith.addi %mul3A_2, %add3A_120 : i32
    %dma_wait3A_122 = arith.constant 0 : i32
    %dma_wait3A_123 = tpu.memref_slice %arg4[%add3A_121, %dma_wait3A_122] : memref<24576x512xf32, #tpu.memory_space<hbm>> -> memref<48x512xf32, #tpu.memory_space<hbm>>
    %dma_wait3A_124 = arith.constant 0 : i32
    %dma_wait3A_125 = tpu.memref_slice %arg4[%add3A_121, %dma_wait3A_124] : memref<24576x512xf32, #tpu.memory_space<hbm>> -> memref<48x512xf32, #tpu.memory_space<hbm>>
    tpu.wait_dma2 semaphore(%arg15 : memref<!tpu.dma_semaphore, #tpu.memory_space<semaphore_mem>>) src(%arg11 : memref<48x512xf32, #tpu.memory_space<vmem>>) dst(%dma_wait3A_125 : memref<48x512xf32, #tpu.memory_space<hbm>>)
    %add3A_126 = arith.constant 720 : i32
    %add3A_127 = arith.addi %mul3A_2, %add3A_126 : i32
    %dma_wait3A_128 = arith.constant 0 : i32
    %dma_wait3A_129 = tpu.memref_slice %arg2[%add3A_127, %dma_wait3A_128] : memref<24576x512xf32, #tpu.memory_space<hbm>> -> memref<48x512xf32, #tpu.memory_space<hbm>>
    %dma_wait3A_130 = arith.constant 0 : i32
    %dma_wait3A_131 = tpu.memref_slice %arg2[%add3A_127, %dma_wait3A_130] : memref<24576x512xf32, #tpu.memory_space<hbm>> -> memref<48x512xf32, #tpu.memory_space<hbm>>
    tpu.wait_dma2 semaphore(%arg13 : memref<!tpu.dma_semaphore, #tpu.memory_space<semaphore_mem>>) src(%dma_wait3A_131 : memref<48x512xf32, #tpu.memory_space<hbm>>) dst(%arg9 : memref<48x512xf32, #tpu.memory_space<vmem>>)
    %parallel_loop3A_132 = arith.constant 0 : i32
    %parallel_loop3A_133 = arith.constant 24576 : i32
    %parallel_loop3A_134 = arith.constant 16 : i32
    scf.for %parallel_loop3A_153 = %parallel_loop3A_132 to %parallel_loop3A_133 step %parallel_loop3A_134  : i32 {
      %parallel_loop3A_154 = arith.constant 9 : i32
      %parallel_loop3A_155 = arith.shrui %parallel_loop3A_153, %parallel_loop3A_154 : i32
      %parallel_loop3A_156 = arith.constant 511 : i32
      %parallel_loop3A_157 = arith.andi %parallel_loop3A_153, %parallel_loop3A_156 : i32
      %parallel_loop3A_158 = arith.index_cast %parallel_loop3A_155 : i32 to index
      %parallel_loop3A_159 = arith.index_cast %parallel_loop3A_157 : i32 to index
      %parallel_loop3A_160 = tpu.vector_load %arg9[%parallel_loop3A_158, %parallel_loop3A_159] {strides = array<i32>} : memref<48x512xf32, #tpu.memory_space<vmem>>, vector<16xf32>,
      %parallel_loop3A_161 = arith.constant 3.100000e+01 : f32
      %parallel_loop3A_162 = vector.broadcast %parallel_loop3A_161 : f32 to vector<16xf32>
      %parallel_loop3A_163 = arith.mulf %parallel_loop3A_160, %parallel_loop3A_162 : vector<16xf32>
      %parallel_loop3A_164 = arith.fptosi %parallel_loop3A_163 : vector<16xf32> to vector<16xi32>
      %parallel_loop3A_165 = arith.constant 0 : i32
      %parallel_loop3A_166 = arith.constant 30 : i32
      %parallel_loop3A_167 = vector.broadcast %parallel_loop3A_165 : i32 to vector<16xi32>
      %parallel_loop3A_168 = arith.maxsi %parallel_loop3A_167, %parallel_loop3A_164 : vector<16xi32>
      %parallel_loop3A_169 = vector.broadcast %parallel_loop3A_166 : i32 to vector<16xi32>
      %parallel_loop3A_170 = arith.minsi %parallel_loop3A_169, %parallel_loop3A_168 : vector<16xi32>
      %parallel_loop3A_171 = tpu.vector_load_idx %arg6[%parallel_loop3A_170] : memref<128xf32, #tpu.memory_space<vmem>>[vector<16xi32>], vector<16xf32>,
      %parallel_loop3A_172 = tpu.vector_load_idx %arg7[%parallel_loop3A_170] : memref<128xf32, #tpu.memory_space<vmem>>[vector<16xi32>], vector<16xf32>,
      %parallel_loop3A_173 = arith.mulf %parallel_loop3A_172, %parallel_loop3A_160 : vector<16xf32>
      %parallel_loop3A_174 = arith.addf %parallel_loop3A_171, %parallel_loop3A_173 : vector<16xf32>
      %parallel_loop3A_175 = arith.index_cast %parallel_loop3A_155 : i32 to index
      %parallel_loop3A_176 = arith.index_cast %parallel_loop3A_157 : i32 to index
      %parallel_loop3A_177 = tpu.vector_load %arg11[%parallel_loop3A_175, %parallel_loop3A_176] {strides = array<i32>} : memref<48x512xf32, #tpu.memory_space<vmem>>, vector<16xf32>,
      tpu.vector_store %arg11[%parallel_loop3A_175, %parallel_loop3A_176], %parallel_loop3A_174 {strides = array<i32>} : memref<48x512xf32, #tpu.memory_space<vmem>>, vector<16xf32>,
    } {sc.loop_unroll_factor = 4 : i64, sc.parallel_access}
    %add3A_135 = arith.constant 720 : i32
    %add3A_136 = arith.addi %mul3A_2, %add3A_135 : i32
    %dma_start3A_137 = arith.constant 0 : i32
    %dma_start3A_138 = tpu.memref_slice %arg4[%add3A_136, %dma_start3A_137] : memref<24576x512xf32, #tpu.memory_space<hbm>> -> memref<48x512xf32, #tpu.memory_space<hbm>>
    %dma_start3A_139 = arith.constant 0 : i32
    %dma_start3A_140 = tpu.memref_slice %arg4[%add3A_136, %dma_start3A_139] : memref<24576x512xf32, #tpu.memory_space<hbm>> -> memref<48x512xf32, #tpu.memory_space<hbm>>
    tpu.enqueue_dma source(%arg11 : memref<48x512xf32, #tpu.memory_space<vmem>>) target(%dma_start3A_140 : memref<48x512xf32, #tpu.memory_space<hbm>>) target_semaphore(%arg15 : memref<!tpu.dma_semaphore, #tpu.memory_space<semaphore_mem>>)
    %add3A_141 = arith.constant 672 : i32
    %add3A_142 = arith.addi %mul3A_2, %add3A_141 : i32
    %dma_wait3A_143 = arith.constant 0 : i32
    %dma_wait3A_144 = tpu.memref_slice %arg4[%add3A_142, %dma_wait3A_143] : memref<24576x512xf32, #tpu.memory_space<hbm>> -> memref<48x512xf32, #tpu.memory_space<hbm>>
    %dma_wait3A_145 = arith.constant 0 : i32
    %dma_wait3A_146 = tpu.memref_slice %arg4[%add3A_142, %dma_wait3A_145] : memref<24576x512xf32, #tpu.memory_space<hbm>> -> memref<48x512xf32, #tpu.memory_space<hbm>>
    tpu.wait_dma2 semaphore(%arg14 : memref<!tpu.dma_semaphore, #tpu.memory_space<semaphore_mem>>) src(%arg10 : memref<48x512xf32, #tpu.memory_space<vmem>>) dst(%dma_wait3A_146 : memref<48x512xf32, #tpu.memory_space<hbm>>)
    %add3A_147 = arith.constant 720 : i32
    %add3A_148 = arith.addi %mul3A_2, %add3A_147 : i32
    %dma_wait3A_149 = arith.constant 0 : i32
    %dma_wait3A_150 = tpu.memref_slice %arg4[%add3A_148, %dma_wait3A_149] : memref<24576x512xf32, #tpu.memory_space<hbm>> -> memref<48x512xf32, #tpu.memory_space<hbm>>
    %dma_wait3A_151 = arith.constant 0 : i32
    %dma_wait3A_152 = tpu.memref_slice %arg4[%add3A_148, %dma_wait3A_151] : memref<24576x512xf32, #tpu.memory_space<hbm>> -> memref<48x512xf32, #tpu.memory_space<hbm>>
    tpu.wait_dma2 semaphore(%arg15 : memref<!tpu.dma_semaphore, #tpu.memory_space<semaphore_mem>>) src(%arg11 : memref<48x512xf32, #tpu.memory_space<vmem>>) dst(%dma_wait3A_152 : memref<48x512xf32, #tpu.memory_space<hbm>>)
    return
  }
}

</mosaic_0001>

<sc_bundles>
// kernel: kernel.3.cloned.1.call-start
scs
__scs_entry_jumppad:
0x0: {  	(pc) =	sbr.rel $0x88, $3  }
0x1: {  	(tag) =	ssettag $0x0;
	lr =	simm.s32 $0x1  }
0x2: {  	[smem:$0x3F9F] =	sst lr;
	_ =	strace $0xD0000000  }
0x3: {  	_ = 	snop  }
0x4: {  	_ = 	snop  }
0x5: {  	_ = 	snop  }
0x6: {  	_ = 	snop  }
0x7: {  	_ = 	snop  }
__scs_overlays_trampoline_lowered:
0x8: {  	[smem:$0x3FAE] =	sst s0  }
0x9: {  	[smem:$0x3FAF] =	sst s1  }
0xa: {  	[smem:$0x3FB0] =	sst s2  }
0xb: {  	[smem:$0x3FB1] =	sst s3  }
0xc: {  	[smem:$0x3FB2] =	sst s4  }
0xd: {  	[smem:$0x3FB3] =	sst s5  }
0xe: {  	[smem:$0x3FB4] =	sst s6  }
0xf: {  	[smem:$0x3FB5] =	sst s7  }
0x10: {  	[smem:$0x3FB6] =	sst s8  }
0x11: {  	[smem:$0x3FB7] =	sst s9;
	s0 =	simm.s32 @!p0 $0x0  }
0x12: {  	s1 =	sld [smem:$0x3F9D];
	s0 =	simm.s32 @p0 $0x1  }
0x13: {  	[smem:$0x3FB8] =	sst s0;
	s0 =	simm.s32 @!p1 $0x0  }
0x14: {  	s2 =	sld [smem:$0x3F9C];
	s0 =	simm.s32 @p1 $0x1  }
0x15: {  	[smem:$0x3FB9] =	sst s0;
	s0 =	simm.s32 @!p2 $0x0  }
0x16: {  	s3 =	sld [smem:$0x3FDB];
	s0 =	simm.s32 @p2 $0x1  }
0x17: {  	s4 =	simm.s32 $0x1BF5;
	[smem:$0x3FBB] =	sst s0  }
0x18: {  	s0 =	sld [smem:$0x3F9E];
	_ =	swait.ge [sflag:s4], $0x0  }
0x19: {  	s7 =	sld [smem:$0x3F9F]  }
0x1a: {  	s8 =	sadd.s32 $0xFFFFE003, lr  }
0x1b: {  	s9 =	sadd.s32 $0xFFFFFEF7, lr;
	s5 =	simm.s32 $0xFFFFFFFF;
	p2 =	slt.u32 s8, $0xFFFFF086  }
0x1c: {  	p1 =	slt.u32 s9, $0xF7A;
	s5 =	simm.s32 @!p2 $0x0  }
0x1d: {  	s5 =	simm.s32 @p1 $0x1;
	p0 =	seq.s32 s7, s2  }
0x1e: {  	s7 =	smul.u32 @!p0 $0xF7A, s2;
	p2 =	seq.s32 @!p0 s5, $0x0  }
0x1f: {  	s9 =	smul.u32 $0xF7A, s1;
	s8 =	simm.s32 @!p0 $0x1BF5;
	p2 =	por !p2, p0  }
0x20: {  	[sflag:s8] =	ssyncset.s32 @!p0 $0xFFFFF086;
	s6 =	sadd.s32 @!p0 s3, s7;
	s7 =	simm.s32 @!p0 $0x108  }
0x21: {  	s3 =	sadd.s32 s3, s9;
	s6 =	sadd.s32 @!p0 $0x88, s6;
	s7 =	simm.s32 @p2 $0x1082  }
0x22: {  	[simem:s7], [sflag:s8] =	dma.local @!p0 [hbm:s6], $0xF7A  }
0x23: {  	s9 =	sor.u32 $0xD0000000, s2;
	s6 =	simm.s32 $0x108;
	_ =	swait.ge @!p0 [sflag:s8], $0x0  }
0x24: {  	s3 =	sadd.s32 $0x88, s3;
	s6 =	simm.s32 @!p1 $0x1082;
	[sflag:s4] =	ssyncset.s32 $0xFFFFF086  }
0x25: {  	[simem:s6], [sflag:s4] =	dma.local [hbm:s3], $0xF7A  }
0x26: {  	[smem:$0x3F9F] =	sst s1;
	(tag) =	ssettag s2;
	_ =	strace s9  }
0x27: {  	s1 =	sld [smem:$0x3FAF]  }
0x28: {  	s2 =	sld [smem:$0x3FB0]  }
0x29: {  	s4 =	sld [smem:$0x3FB2]  }
0x2a: {  	p0 =	seq.s32 s5, $0x0;
	s5 =	sld [smem:$0x3FB3]  }
0x2b: {  	s6 =	sld [smem:$0x3FB4]  }
0x2c: {  	s7 =	sld [smem:$0x3FB5]  }
0x2d: {  	s3 =	simm.s32 $0x108;
	s8 =	sld [smem:$0x3FB6]  }
0x2e: {  	s3 =	simm.s32 @!p0 $0x1082;
	s9 =	sld [smem:$0x3FB7]  }
0x2f: {  	lr =	sadd.s32 s0, s3;
	s0 =	sld [smem:$0x3FAE]  }
0x30: {  	s3 =	sld [smem:$0x3FB1]  }
0x31: {  	[smem:$0x3FBA] =	sst s10  }
0x32: {  	s10 =	sld [smem:$0x3FB8];
	_ =	sdelay $0x3  }
0x33: {  	p0 =	seq.s32 s10, $0x1;
	s10 =	sld [smem:$0x3FBA];
	_ =	sdelay $0x3  }
0x34: {  	[smem:$0x3FBA] =	sst s10  }
0x35: {  	s10 =	sld [smem:$0x3FB9];
	_ =	sdelay $0x3  }
0x36: {  	p1 =	seq.s32 s10, $0x1;
	s10 =	sld [smem:$0x3FBA];
	_ =	sdelay $0x3  }
0x37: {  	[smem:$0x3FBA] =	sst s10  }
0x38: {  	s10 =	sld [smem:$0x3FBB]  }
0x39: {  	_ = 	snop;
	(pc) =	sbr.ind lr, $3  }
0x3a: {  	_ = 	snop  }
0x3b: {  	_ = 	snop  }
0x3c: {  	p2 =	seq.s32 s10, $0x1;
	s10 =	sld [smem:$0x3FBA]  }
0x3d: {  	_ =	shalt  }
0x3e: {  	_ =	shalt  }
0x3f: {  	_ =	shalt  }
0x40: {  	_ =	shalt  }
0x41: {  	_ =	shalt  }
0x42: {  	_ =	shalt  }
0x43: {  	_ =	shalt  }
0x44: {  	_ =	shalt  }
0x45: {  	_ =	shalt  }
0x46: {  	_ =	shalt  }
0x47: {  	_ =	shalt  }
0x48: {  	_ =	shalt  }
0x49: {  	_ =	shalt  }
0x4a: {  	_ =	shalt  }
0x4b: {  	_ =	shalt  }
0x4c: {  	_ =	shalt  }
0x4d: {  	_ =	shalt  }
0x4e: {  	_ =	shalt  }
0x4f: {  	_ =	shalt  }
0x50: {  	_ =	shalt  }
0x51: {  	_ =	shalt  }
0x52: {  	_ =	shalt  }
0x53: {  	_ =	shalt  }
0x54: {  	_ =	shalt  }
0x55: {  	_ =	shalt  }
0x56: {  	_ =	shalt  }
0x57: {  	_ =	shalt  }
0x58: {  	_ =	shalt  }
0x59: {  	_ =	shalt  }
0x5a: {  	_ =	shalt  }
0x5b: {  	_ =	shalt  }
0x5c: {  	_ =	shalt  }
0x5d: {  	_ =	shalt  }
0x5e: {  	_ =	shalt  }
0x5f: {  	_ =	shalt  }
0x60: {  	_ =	shalt  }
0x61: {  	_ =	shalt  }
0x62: {  	_ =	shalt  }
0x63: {  	_ =	shalt  }
0x64: {  	_ =	shalt  }
0x65: {  	_ =	shalt  }
0x66: {  	_ =	shalt  }
0x67: {  	_ =	shalt  }
0x68: {  	_ =	shalt  }
0x69: {  	_ =	shalt  }
0x6a: {  	_ =	shalt  }
0x6b: {  	_ =	shalt  }
0x6c: {  	_ =	shalt  }
0x6d: {  	_ =	shalt  }
0x6e: {  	_ =	shalt  }
0x6f: {  	_ =	shalt  }
0x70: {  	_ =	shalt  }
0x71: {  	_ =	shalt  }
0x72: {  	_ =	shalt  }
0x73: {  	_ =	shalt  }
0x74: {  	_ =	shalt  }
0x75: {  	_ =	shalt  }
0x76: {  	_ =	shalt  }
0x77: {  	_ =	shalt  }
0x78: {  	_ =	shalt  }
0x79: {  	_ =	shalt  }
0x7a: {  	_ =	shalt  }
0x7b: {  	_ =	shalt  }
0x7c: {  	_ =	shalt  }
0x7d: {  	_ =	shalt  }
0x7e: {  	_ =	shalt  }
0x7f: {  	_ =	shalt  }
0x80: {  	_ =	shalt  }
0x81: {  	_ =	shalt  }
0x82: {  	_ =	shalt  }
0x83: {  	_ =	shalt  }
0x84: {  	_ =	shalt  }
0x85: {  	_ =	shalt  }
0x86: {  	_ =	shalt  }
0x87: {  	_ =	shalt  }
.Lfunc_end0:
.L_simem_size_0:
called_computation_lowered:
.L_overlay_start_0:
0x88: {  	s2 =	sld [smem:$0x3FD9]  }
0x89: {  	s3 =	sld [smem:$0x3FFE];
	_ =	sdelay $0x1  }
0x8a: {  	s1 =	srdreg.scid  }
0x8b: {  	s0 =	sand.u32 $0x1, s1  }
0x8c: {  	s18 =	sshll.u32 s0, $0xA;
	s2 =	sadd.s32 s3, s2  }
0x8d: {  	s2 =	sadd.s32 s2, s18  }
0x8e: {  	[smem:$0x3FC6] =	sst s2  }
0x8f: {  	_ = 	snop  }
0x90: {  	s2 =	sld [smem:$0x3FC9]  }
0x91: {  	s19 =	sld [smem:$0x3FC8]  }
0x92: {  	s4 =	sld [smem:$0x3FD0];
	(tm) =	ssettm $0x1  }
0x93: {  	s5 =	sld [smem:$0x3FFB];
	_ =	sdelay $0x3  }
0x94: {  	_ =	strace s5  }
0x95: {  	s5 =	sld [smem:$0x3FFC];
	_ =	sdelay $0x3  }
0x96: {  	_ =	strace s5  }
0x97: {  	s5 =	sld [smem:$0x3FFD];
	_ =	sdelay $0x3  }
0x98: {  	_ =	strace s5  }
0x99: {  	_ =	strace $0x8FFFFFFF  }
0x9a: {  	s20 =	sld [smem:$0x3FDB];
	_ =	sdelay $0x1  }
0x9b: {  	s6 =	simm.s32 $_scs_section_size  }
0x9c: {  	s7 =	simm.s32 $_size__tile_overlayer_lowered;
	s8 =	simm.s32 $_tile_overlayer_lowered  }
0x9d: {  	s23 =	simm.s32 $0x1BFF;
	s22 =	sshll.u32 s8, $0x1;
	s5 =	sadd.s32 s6, s20  }
0x9e: {  	s9 =	simm.s32 $0x0;
	s21 =	sshll.u32 s7, $0x1;
	s7 =	sadd.s32 s22, s5  }
0x9f: {  	[timem:s9], [sflag:s23] =	dma.local [hbm:s7], s21  }
0xa0: {  	_ =	swait.ge [sflag:s23], s21  }
0xa1: {  	s6 =	ssub.s32 $0x0, s21;
	[sflag:s23] =	ssyncset.done $0x0  }
0xa2: {  	[sflag:s23] =	ssyncadd.s32 s6;
	_ =	sdelay $0x1  }
0xa3: {  	s24 =	simm.s32 $0x1B8B  }
0xa4: {  	_ =	swait.ge [sflag:s24], $0x1  }
0xa5: {  	[sflag:s24] =	ssyncset.done $0x0  }
0xa6: {  	s25 =	simm.s32 $0x1B8E;
	[sflag:s24] =	ssyncadd.s32 $0xFFFFFFFF  }
0xa7: {  	s26 =	simm.s32 $execute0_lowered;
	[smem:$0x3FD2] =	sst s25  }
0xa8: {  	s6 =	sshll.u32 s26, $0x1;
	_ =	strace $0x80000046;
	[dreg:$0x1] =	wrdreg $0xFFFFFFFF  }
0xa9: {  	s28 =	simm.s32 $_size_execute0_lowered;
	s5 =	sadd.s32 s5, s6;
	[dreg:$0x0] =	wrdreg $0x0  }
0xaa: {  	s6 =	sshll.u32 s28, $0x1;
	[dreg:$0x2] =	wrdreg s5  }
0xab: {  	[dreg:$0x3] =	wrdreg s6  }
0xac: {  	[dreg:$0x4] =	wrdreg $0xC0  }
0xad: {  	_ =	task [dreg:s9], $0x5FFFF  }
0xae: {  	[dreg:$0x1] =	wrdreg $0xFFFFFFFF  }
0xaf: {  	[dreg:$0x0] =	wrdreg $0x60  }
0xb0: {  	[dreg:$0x2] =	wrdreg s2  }
0xb1: {  	[dreg:$0x3] =	wrdreg s19  }
0xb2: {  	[dreg:$0x4] =	wrdreg s4  }
0xb3: {  	[dreg:$0x5] =	wrdreg $0x9  }
0xb4: {  	_ =	task.clear_ibuf [dreg:s9], $0x6FFFF;
	_ =	strace $0x90000046  }
0xb5: {  	s29 =	simm.s32 $0x9;
	_ =	strace $0x80000048  }
0xb6: {  	_ =	swait.ge [sflag:s29], $0x1  }
0xb7: {  	[sflag:s29] =	ssyncadd.s32 $0xFFFFFFFF  }
0xb8: {  	_ =	strace $0x90000048  }
0xb9: {  	_ =	sfence  }
0xba: {  	s30 =	sld [smem:$0x0];
	_ =	sdelay $0x2  }
0xbb: {  	s31 =	sshll.u32 s1, $0xD;
	s1 =	sshrl.u32 s1, $0x2  }
0xbc: {  	s3 =	sand.u32 $0x4000, s31;
	s1 =	sadd.s32 s1, s30  }
0xbd: {  	s0 =	sor.u32 s3, s0;
	s1 =	sshll.u32 s1, $0x11  }
0xbe: {  	s0 =	sor.u32 s1, s0  }
0xbf: {  	s0 =	sadd.s32 $0x8F2B, s0  }
0xc0: {  	[sflag:s0] =	ssyncadd.remote.s32 $0x1  }
0xc1: {  	_ =	sfence.sel $0xFFFF  }
0xc2: {  	[dreg:$0x0] =	wrdreg $0xFFFFFFFF;
	(pc) =	sbr.abs _section_cstart, $3  }
0xc3: {  	[dreg:$0x1] =	wrdreg $0xFFFFFFFF  }
0xc4: {  	_ =	task.clear_ibuf [dreg:s9], $0x2FFFF;
	_ =	strace $0x9FFFFFFF  }
0xc5: {  	(tm) =	ssettm $0x7FFFFFFF  }
tec
execute0_lowered:
.L_overlay_start_1:
0x0: {  	(tag) =	ssettag $0x1  }
0x1: {  	v0 =	vimm.f32 $-1.500000000e+01;
	vm0 =	vcmask $0x300  }
0x2: {  	vm3 =	vcmask $0x704;
	vm8 =	vcmask $0xB08;
	vm5 =	vcmask $0xF0C  }
0x3: {  	vm6 =	vcmask $0x1310;
	vm7 =	vcmask $0x1714;
	vm4 =	vcmask $0x1B18  }
0x4: {  	s0 =	rddreg [dreg:$0x0];
	v3 =	vimm.f32 $-3.100000000e+01;
	s1 =	srdreg.scid;
	vm1 =	vcmask $0x1F1C;
	vm2 =	vcmask $0x2320  }
0x5: {  	s2 =	stileid.u32;
	s4 =	rddreg [dreg:$0x2];
	vm9 =	vcmask $0x2724;
	vm10 =	vcmask $0x2B28;
	vm11 =	vcmask $0x2F2C  }
0x6: {  	s5 =	simm.s32 $0x0;
	vm12 =	vcmask $0x3330;
	v4 =	vimm.s32 $0x1C1B1A19;
	v5 =	vimm.s32 $0x1F1F1E1D;
	s19 =	simm.s32 $0x5;
	s20 =	simm.s32 $0x180  }
0x7: {  	vm13 =	vcmask $0x1F10;
	s21 =	simm.s32 $0x6180;
	v0 =	vsel vm0, $0x80000000, v0;
	v3 =	vsel vm0, $0xC1800000, v3;
	s1 =	sand.u32 $0x1, s1;
	s2 =	sshll.u32 s2, $0x1  }
0x8: {  	vm14 =	vcmask $0x3734;
	s28 =	simm.s32 $0x12180;
	s29 =	simm.s32 $0x3;
	v0 =	vsel vm3, $0xBF800000, v0;
	v3 =	vsel vm3, $0xC1880000, v3;
	s2 =	sor.u32 s1, s2  }
0x9: {  	v6 =	vimm.s32 $0x18171615;
	s30 =	simm.s32 $0x4;
	s31 =	simm.s32 $0x0;
	v1 =	vsel vm8, $0xC0000000, v0;
	v3 =	vsel vm8, $0xC1900000, v3;
	s3 =	smul.u32 $0xC000, s2  }
0xa: {  	vm15 =	vcmask $0x3B38;
	[smem:$0x7FF] =	sst s5;
	s1 =	ssub.s32 $0x2, s1;
	s6 =	smul.u32 $0x300, s2;
	v2 =	vsel vm5, $0xC0400000, v1;
	v3 =	vsel vm5, $0xC1980000, v3  }
0xb: {  	v4 =	vunpack.c.0.s8.s32 v4;
	_ =	strace $0x80000047;
	s7 =	sshrl.u32 s1, $0x1;
	s2 =	smul.u32 $0x60000, s2;
	v2 =	vsel vm6, $0xC0800000, v2;
	v3 =	vsel vm6, $0xC1A00000, v3  }
0xc: {  	v5 =	vunpack.c.0.s8.s32 v5;
	s8 =	sor.u32 $0xC00, s3;
	s22 =	sadd.s32 s0, s3;
	s3 =	sadd.s32 s4, s3;
	v2 =	vsel vm7, $0xC0A00000, v2;
	v3 =	vsel vm7, $0xC1A80000, v3  }
0xd: {  	v6 =	vunpack.c.0.s8.s32 v6;
	s1 =	ssub.s32 s1, s7;
	s2 =	sshrl.u32 s2, $0x3;
	[dreg:$0x6] =	wrdreg s3;
	v2 =	vsel vm4, $0xC0C00000, v2;
	v3 =	vsel vm4, $0xC1B00000, v3  }
0xe: {  	v0 =	vlaneseq.u32;
	s13 =	sor.u32 $0x90, s6;
	s1 =	smax.u32 s1, $0x1;
	[dreg:$0x4] =	wrdreg s22;
	v2 =	vsel vm1, $0xC0E00000, v2;
	v3 =	vsel vm1, $0xC1B80000, v3  }
0xf: {  	v4 =	vsel vm13, v5, v4;
	s16 =	sor.u32 $0x60, s6;
	s9 =	sadd.s32 s0, s8;
	[dreg:$0xc] =	wrdreg s1;
	v2 =	vsel vm2, $0xC1000000, v2;
	v3 =	vsel vm2, $0xC1C00000, v3  }
0x10: {  	v5 =	vimm.s32 $0x14131211;
	s17 =	sor.u32 $0x30, s6;
	s23 =	sadd.s32 $0x1800, s22;
	[dreg:$0x5] =	wrdreg s9;
	v2 =	vsel vm9, $0xC1100000, v2;
	v3 =	vsel vm9, $0xC1C80000, v3  }
0x11: {  	v5 =	vunpack.c.0.s8.s32 v5;
	s24 =	sadd.s32 s4, s8;
	s25 =	sadd.s32 $0x2400, s22;
	[dreg:$0x7] =	wrdreg s23;
	v2 =	vsel vm10, $0xC1200000, v2;
	v3 =	vsel vm10, $0xC1D00000, v3  }
0x12: {  	v1 =	vadd.s32 $0x1, v0;
	s2 =	sadd.s32 s4, s2;
	s22 =	simm.s32 $0x1;
	[dreg:$0x8] =	wrdreg s24;
	v2 =	vsel vm11, $0xC1300000, v2;
	v3 =	vsel vm11, $0xC1D80000, v3  }
0x13: {  	v5 =	vsel vm13, v6, v5;
	[dreg:$0x9] =	wrdreg s25;
	s26 =	sadd.s32 $0xA800, s2;
	s2 =	sadd.s32 $0xB400, s2;
	v2 =	vsel vm12, $0xC1400000, v2;
	v3 =	vsel vm12, $0xC1E00000, v3  }
0x14: {  	s23 =	simm.s32 $0x80;
	s24 =	simm.s32 $0x100;
	v4 =	vcombine.low v5, v4;
	[dreg:$0xa] =	wrdreg s26;
	v2 =	vsel vm14, $0xC1500000, v2;
	v6 =	vsel vm14, $0xC1E80000, v3  }
0x15: {  	s25 =	simm.s32 $0xC180;
	[dreg:$0xb] =	wrdreg s2;
	s26 =	simm.s32 $0x2;
	v3 =	vor.u32 $0x10, v0;
	v2 =	vsel vm15, $0xC1600000, v2;
	v5 =	vsel vm15, $0xC1F00000, v6  }
.LBB2_1:
0x16: {  	s1 =	rddreg [dreg:$0x1]  }
0x17: {  	[tilespmem:s5], [sflag:$0x5] =	stream.linear.gather [hbm4b:s1+s5], $0x20, $0x38;
	[tilespmem:$0x18180] =	vst v63  }
0x18: {  	_ =	swait.ge [sflag:s19], $0x20  }
0x19: {  	[sflag:s19] =	ssyncset.done $0x0  }
0x1a: {  	[sflag:s19] =	ssyncadd.s32 $0xFFFFFFE0  }
0x1b: {  	v6 =	vld.idx.msk [tilespmem:v0+s5+$0x0], $0xffff  }
0x1c: {  	v7 =	vld.idx.msk [tilespmem:v1+s5+$0x0], $0xffff;
	_ =	sdelay $0x4  }
0x1d: {  	v7 =	vsub.f32 v7, v6;
	_ =	sdelay $0x1  }
0x1e: {  	v8 =	vmul.f32 v2, v7  }
0x1f: {  	v7 =	vmul.f32 $3.100000000e+01, v7  }
0x20: {  	v6 =	vadd.f32 v8, v6  }
0x21: {  	[tilespmem:$0x100] =	vst v7  }
0x22: {  	[tilespmem:$0x80] =	vst v6  }
0x23: {  	v6 =	vld.idx.msk [tilespmem:v3+s5+$0x0], $0xffff  }
0x24: {  	v7 =	vld.idx.msk [tilespmem:v4+s5+$0x0], $0xffff;
	_ =	sdelay $0x4  }
0x25: {  	v7 =	vsub.f32 v7, v6;
	_ =	sdelay $0x1  }
0x26: {  	v8 =	vmul.f32 v5, v7  }
0x27: {  	v7 =	vmul.f32 $3.100000000e+01, v7  }
0x28: {  	v6 =	vadd.f32 v8, v6  }
0x29: {  	[tilespmem:$0x110] =	vst v7  }
0x2a: {  	s11 =	simm.s32 $0x0;
	s9 =	rddreg [dreg:$0x4];
	[tilespmem:$0x90] =	vst v6  }
0x2b: {  	[tilespmem:s20], [sflag:$0x1] =	stream.linear.gather [hbm4b:s9+s5], $0x6000, $0x38;
	[tilespmem:$0x18180] =	vst v63  }
0x2c: {  	s3 =	sand.u32 $0xC00, s5;
	s2 =	sand.u32 $0x7000, s11;
	s10 =	rddreg [dreg:$0x5]  }
0x2d: {  	[tilespmem:s21], [sflag:$0x2] =	stream.linear.gather [hbm4b:s10+s5], $0x6000, $0x38;
	[tilespmem:$0x18180] =	vst v63  }
0x2e: {  	s12 =	sand.u32 $0x380, s5;
	s2 =	sor.u32 s2, s3;
	_ =	swait.ge [sflag:s22], $0x6000  }
0x2f: {  	s1 =	sand.u32 $0x40, s11;
	s2 =	sor.u32 s12, s2;
	[sflag:s22] =	ssyncset.done $0x0  }
0x30: {  	s2 =	sor.u32 s1, s2;
	[sflag:s22] =	ssyncadd.s32 $0xFFFFA000  }
0x31: {  	v6 =	vld [tilespmem:s2+$0x1B0]  }
0x32: {  	s14 =	simm.s32 $0x40;
	s15 =	simm.s32 $0x200  }
0x33: {  	s8 =	sand.u32 $0x7000, s14;
	s3 =	sand.u32 $0xC00, s15;
	s9 =	simm.s32 $0x10;
	v10 =	vld [tilespmem:s2+$0x180]  }
0x34: {  	s3 =	sor.u32 s8, s3;
	s18 =	sand.u32 $0x380, s9;
	v11 =	vld [tilespmem:s2+$0x190]  }
0x35: {  	s1 =	sand.u32 $0x40, s14;
	s3 =	sor.u32 s18, s3;
	v12 =	vld [tilespmem:s2+$0x1A0]  }
0x36: {  	s1 =	sor.u32 s1, s3;
	v7 =	vmul.f32 $3.100000000e+01, v6  }
0x37: {  	v19 =	vld [tilespmem:s1+$0x1A0]  }
0x38: {  	v8 =	vmul.f32 $3.100000000e+01, v10;
	v7 =	vtrunc.f32 v7  }
0x39: {  	v9 =	vmul.f32 $3.100000000e+01, v11;
	v7 =	vcvt.f32.s32 v7  }
0x3a: {  	v13 =	vmul.f32 $3.100000000e+01, v12;
	v8 =	vtrunc.f32 v8  }
0x3b: {  	v9 =	vtrunc.f32 v9;
	v8 =	vcvt.f32.s32 v8;
	vm0 =	vgt.s32 v7, $0x0  }
0x3c: {  	v24 =	vmul.f32 $3.100000000e+01, v19;
	v9 =	vcvt.f32.s32 v9;
	v7 =	vnsel vm0, $0x0, v7  }
0x3d: {  	v14 =	vld [tilespmem:s1+$0x1B0];
	v13 =	vtrunc.f32 v13;
	vm5 =	vgt.s32 v8, $0x0;
	v7 =	vmin.u32 v7, $0x1E  }
0x3e: {  	v13 =	vcvt.f32.s32 v13;
	vm6 =	vgt.s32 v9, $0x0;
	v8 =	vnsel vm5, $0x0, v8  }
0x3f: {  	v18 =	vld [tilespmem:s1+$0x190];
	v9 =	vnsel vm6, $0x0, v9;
	v8 =	vmin.u32 v8, $0x1E  }
0x40: {  	v24 =	vtrunc.f32 v24;
	vm7 =	vgt.s32 v13, $0x0;
	v16 =	vmin.u32 v9, $0x1E  }
0x41: {  	v15 =	vld [tilespmem:s1+$0x180];
	v24 =	vcvt.f32.s32 v24;
	v9 =	vnsel vm7, $0x0, v13  }
0x42: {  	s7 =	simm.s32 $0x80;
	s11 =	simm.s32 $0x400;
	v13 =	vmin.u32 v9, $0x1E;
	v9 =	vmul.f32 $3.100000000e+01, v14;
	v17 =	vld.idx.msk [tilespmem:v7+s24+$0x0], $0xffff  }
0x43: {  	s12 =	sand.u32 $0x7000, s7;
	s8 =	sand.u32 $0xC00, s11;
	s10 =	simm.s32 $0x20;
	vm11 =	vgt.s32 v24, $0x0;
	v20 =	vld.idx.msk [tilespmem:v7+s23+$0x0], $0xffff  }
0x44: {  	s8 =	sor.u32 s12, s8;
	s14 =	sand.u32 $0x380, s10;
	v22 =	vmul.f32 $3.100000000e+01, v18;
	v24 =	vnsel vm11, $0x0, v24;
	v9 =	vtrunc.f32 v9;
	v21 =	vld.idx.msk [tilespmem:v8+s24+$0x0], $0xffff  }
0x45: {  	s3 =	sand.u32 $0x40, s7;
	s8 =	sor.u32 s14, s8;
	v31 =	vmin.u32 v24, $0x1E;
	v9 =	vcvt.f32.s32 v9;
	v23 =	vld.idx.msk [tilespmem:v16+s24+$0x0], $0xffff  }
0x46: {  	s3 =	sor.u32 s3, s8;
	v22 =	vtrunc.f32 v22;
	v7 =	vmul.f32 $3.100000000e+01, v15;
	v26 =	vld.idx.msk [tilespmem:v8+s23+$0x0], $0xffff  }
0x47: {  	v22 =	vcvt.f32.s32 v22;
	v8 =	vld [tilespmem:s3+$0x1B0];
	vm8 =	vgt.s32 v9, $0x0  }
0x48: {  	v25 =	vld.idx.msk [tilespmem:v13+s24+$0x0], $0xffff;
	v7 =	vtrunc.f32 v7;
	v9 =	vnsel vm8, $0x0, v9  }
0x49: {  	vm10 =	vgt.s32 v22, $0x0;
	v7 =	vcvt.f32.s32 v7;
	v27 =	vmin.u32 v9, $0x1E;
	v9 =	vld [tilespmem:s3+$0x180]  }
0x4a: {  	v22 =	vnsel vm10, $0x0, v22;
	v29 =	vld.idx.msk [tilespmem:v31+s24+$0x0], $0xffff  }
0x4b: {  	v22 =	vmin.u32 v22, $0x1E;
	vm9 =	vgt.s32 v7, $0x0;
	v17 =	vmul.f32 v17, v6;
	v6 =	vld [tilespmem:s3+$0x190]  }
0x4c: {  	v33 =	vld.idx.msk [tilespmem:v13+s23+$0x0], $0xffff;
	v21 =	vmul.f32 v21, v10;
	v10 =	vmul.f32 $3.100000000e+01, v8;
	v7 =	vnsel vm9, $0x0, v7  }
0x4d: {  	v32 =	vmul.f32 v23, v11;
	v25 =	vmul.f32 v25, v12;
	v28 =	vmin.u32 v7, $0x1E;
	v7 =	vld [tilespmem:s3+$0x1A0]  }
0x4e: {  	v10 =	vtrunc.f32 v10;
	v11 =	vld.idx.msk [tilespmem:v27+s24+$0x0], $0xffff;
	v12 =	vmul.f32 $3.100000000e+01, v9  }
0x4f: {  	s9 =	simm.s32 $0xC0;
	s10 =	simm.s32 $0x600;
	v30 =	vld.idx.msk [tilespmem:v16+s23+$0x0], $0xffff;
	v21 =	vadd.f32 v21, v26;
	v10 =	vcvt.f32.s32 v10  }
0x50: {  	s11 =	simm.s32 $0x30;
	s15 =	sand.u32 $0x7000, s9;
	s12 =	sand.u32 $0xC00, s10;
	v16 =	vld.idx.msk [tilespmem:v27+s23+$0x0], $0xffff;
	v13 =	vmul.f32 $3.100000000e+01, v6;
	v12 =	vtrunc.f32 v12  }
0x51: {  	s18 =	sand.u32 $0x380, s11;
	s8 =	sor.u32 s15, s12;
	v17 =	vadd.f32 v17, v20;
	v27 =	vld.idx.msk [tilespmem:v22+s24+$0x0], $0xffff;
	[tilespmem:s2+$0xC180] =	vst v21;
	v21 =	vmul.f32 v29, v19;
	v12 =	vcvt.f32.s32 v12  }
0x52: {  	s14 =	sand.u32 $0x40, s9;
	s8 =	sor.u32 s18, s8;
	v25 =	vadd.f32 v25, v33;
	v23 =	vmul.f32 $3.100000000e+01, v7;
	v24 =	vld.idx.msk [tilespmem:v28+s24+$0x0], $0xffff;
	v13 =	vtrunc.f32 v13  }
0x53: {  	s8 =	sor.u32 s14, s8;
	vm12 =	vgt.s32 v10, $0x0;
	v28 =	vld.idx.msk [tilespmem:v28+s23+$0x0], $0xffff;
	v13 =	vcvt.f32.s32 v13;
	v14 =	vmul.f32 v11, v14  }
0x54: {  	vm13 =	vgt.s32 v12, $0x0;
	v20 =	vtrunc.f32 v23;
	v23 =	vnsel vm12, $0x0, v10;
	v10 =	vld [tilespmem:s8+$0x1B0]  }
0x55: {  	v11 =	vld [tilespmem:s8+$0x180];
	v12 =	vnsel vm13, $0x0, v12;
	v20 =	vcvt.f32.s32 v20;
	v23 =	vmin.u32 v23, $0x1E  }
0x56: {  	vm14 =	vgt.s32 v13, $0x0;
	v26 =	vadd.f32 v14, v16;
	v14 =	vld [tilespmem:s8+$0x190];
	v16 =	vmin.u32 v12, $0x1E  }
0x57: {  	v34 =	vnsel vm14, $0x0, v13;
	v13 =	vld [tilespmem:s8+$0x1A0];
	vm15 =	vgt.s32 v20, $0x0;
	v12 =	vmul.f32 v24, v15  }
0x58: {  	[tilespmem:s2+$0xC1B0] =	vst v17;
	v17 =	vld.idx.msk [tilespmem:v22+s23+$0x0], $0xffff;
	v22 =	vmul.f32 v27, v18;
	v24 =	vmin.u32 v34, $0x1E;
	v20 =	vnsel vm15, $0x0, v20  }
0x59: {  	v20 =	vmin.u32 v20, $0x1E;
	v29 =	vmul.f32 $3.100000000e+01, v10;
	v27 =	vadd.f32 v12, v28;
	v12 =	vld.idx.msk [tilespmem:v31+s23+$0x0], $0xffff  }
0x5a: {  	[tilespmem:s1+$0xC1B0] =	vst v26;
	v26 =	vadd.f32 v32, v30;
	v18 =	vmovc v24;
	v28 =	vmul.f32 $3.100000000e+01, v11;
	v19 =	vld.idx.msk [tilespmem:v23+s24+$0x0], $0xffff;
	v15 =	vmov v20  }
.LBB2_2:
0x5b: {  	s9 =	sadd.s32 $0x40, s9;
	v30 =	vmul.f32 $3.100000000e+01, v14;
	v29 =	vtrunc.f32 v29;
	s10 =	sadd.s32 $0x200, s10;
	v31 =	vld.idx.msk [tilespmem:v23+s23+$0x0], $0xffff;
	[tilespmem:s1+$0xC180] =	vst v27;
	v27 =	vmovc v14;
	v32 =	vmovc v22;
	v33 =	vmov v21  }
0x5c: {  	s11 =	sadd.s32 $0x10, s11;
	s12 =	sand.u32 $0x7000, s9;
	s14 =	sand.u32 $0xC00, s10;
	v14 =	vmul.f32 $3.100000000e+01, v13;
	v21 =	vcvt.f32.s32 v29;
	v22 =	vld.idx.msk [tilespmem:v16+s24+$0x0], $0xffff;
	[tilespmem:s2+$0xC190] =	vst v26;
	v34 =	vmov v13  }
0x5d: {  	p0 =	slt.u32 s9, $0x5FC0;
	v13 =	vtrunc.f32 v28;
	s12 =	sor.u32 s12, s14;
	s14 =	sand.u32 $0x380, s11;
	v23 =	vtrunc.f32 v30;
	v26 =	vld.idx.msk [tilespmem:v24+s24+$0x0], $0xffff;
	[tilespmem:s2+$0xC1A0] =	vst v25  }
0x5e: {  	s15 =	sand.u32 $0x40, s9;
	v13 =	vcvt.f32.s32 v13;
	v28 =	vmovc v17;
	s2 =	smov.u32 s1;
	s12 =	sor.u32 s14, s12;
	v14 =	vtrunc.f32 v14;
	vm0 =	vgt.s32 v21, $0x0;
	v25 =	vld.idx.msk [tilespmem:v20+s24+$0x0], $0xffff  }
0x5f: {  	s1 =	smov.u32 s3;
	s3 =	smov.u32 s8;
	v17 =	vcvt.f32.s32 v23;
	v20 =	vnsel vm0, $0x0, v21;
	v30 =	vld.idx.msk [tilespmem:v16+s23+$0x0], $0xffff;
	v16 =	vmul.f32 v19, v8;
	v8 =	vmovc v10;
	s8 =	sor.u32 s15, s12  }
0x60: {  	vm0 =	vgt.s32 v13, $0x0;
	v19 =	vcvt.f32.s32 v14;
	v10 =	vld [tilespmem:s8+$0x1B0];
	v23 =	vmin.u32 v20, $0x1E  }
0x61: {  	v13 =	vnsel vm0, $0x0, v13;
	vm0 =	vgt.s32 v17, $0x0;
	v35 =	vld [tilespmem:s8+$0x180];
	v20 =	vadd.f32 v16, v31  }
.Ltmp0:
0x62: {  	v16 =	vmin.u32 v13, $0x1E;
	v17 =	vnsel vm0, $0x0, v17;
	vm0 =	vgt.s32 v19, $0x0;
	v14 =	vld [tilespmem:s8+$0x190];
	(pc) =	sbr.rel @p0 .LBB2_2-.Ltmp0, $4  }
0x63: {  	v31 =	vmul.f32 v22, v9;
	v9 =	vmovc v11;
	v24 =	vmin.u32 v17, $0x1E;
	v17 =	vnsel vm0, $0x0, v19;
	v13 =	vld [tilespmem:s8+$0x1A0];
	[tilespmem:s1+$0xC1B0] =	vst v20  }
0x64: {  	v22 =	vmul.f32 v26, v6;
	v6 =	vmovc v27;
	v20 =	vmin.u32 v17, $0x1E;
	v21 =	vmul.f32 v25, v7;
	v17 =	vld.idx.msk [tilespmem:v18+s23+$0x0], $0xffff  }
0x65: {  	v26 =	vadd.f32 v32, v28;
	v7 =	vmovc v34;
	v27 =	vadd.f32 v31, v30;
	v29 =	vmul.f32 $3.100000000e+01, v10;
	v19 =	vld.idx.msk [tilespmem:v23+s24+$0x0], $0xffff  }
0x66: {  	v25 =	vadd.f32 v33, v12;
	v18 =	vmovc v24;
	v28 =	vmul.f32 $3.100000000e+01, v35;
	v12 =	vld.idx.msk [tilespmem:v15+s23+$0x0], $0xffff;
	v11 =	vmovc v35;
	v15 =	vmov v20  }
0x67: {  	_ = 	snop  }
0x68: {  	v29 =	vtrunc.f32 v29;
	v30 =	vmul.f32 $3.100000000e+01, v14  }
0x69: {  	v29 =	vcvt.f32.s32 v29;
	v28 =	vtrunc.f32 v28  }
0x6a: {  	v31 =	vmul.f32 $3.100000000e+01, v13;
	v28 =	vcvt.f32.s32 v28  }
0x6b: {  	v23 =	vld.idx.msk [tilespmem:v23+s23+$0x0], $0xffff;
	v30 =	vtrunc.f32 v30;
	vm0 =	vgt.s32 v29, $0x0  }
0x6c: {  	v32 =	vld.idx.msk [tilespmem:v16+s24+$0x0], $0xffff;
	v31 =	vtrunc.f32 v31;
	v29 =	vnsel vm0, $0x0, v29;
	vm13 =	vgt.s32 v28, $0x0  }
0x6d: {  	v24 =	vld.idx.msk [tilespmem:v24+s24+$0x0], $0xffff;
	v30 =	vcvt.f32.s32 v30;
	v29 =	vmin.u32 v29, $0x1E;
	v28 =	vnsel vm13, $0x0, v28  }
0x6e: {  	v20 =	vld.idx.msk [tilespmem:v20+s24+$0x0], $0xffff;
	v31 =	vcvt.f32.s32 v31;
	v28 =	vmin.u32 v28, $0x1E  }
0x6f: {  	v16 =	vld.idx.msk [tilespmem:v16+s23+$0x0], $0xffff;
	vm14 =	vgt.s32 v30, $0x0  }
0x70: {  	v18 =	vld.idx.msk [tilespmem:v18+s23+$0x0], $0xffff;
	v30 =	vnsel vm14, $0x0, v30;
	vm15 =	vgt.s32 v31, $0x0  }
0x71: {  	v15 =	vld.idx.msk [tilespmem:v15+s23+$0x0], $0xffff;
	v30 =	vmin.u32 v30, $0x1E;
	v31 =	vnsel vm15, $0x0, v31  }
0x72: {  	v31 =	vmin.u32 v31, $0x1E;
	v33 =	vld.idx.msk [tilespmem:v29+s24+$0x0], $0xffff  }
0x73: {  	v8 =	vmul.f32 v19, v8;
	v19 =	vld.idx.msk [tilespmem:v28+s24+$0x0], $0xffff  }
0x74: {  	[tilespmem:s1+$0xC180] =	vst v27;
	v9 =	vmul.f32 v32, v9;
	v27 =	vld.idx.msk [tilespmem:v29+s23+$0x0], $0xffff  }
0x75: {  	[tilespmem:s2+$0xC190] =	vst v26;
	v8 =	vadd.f32 v8, v23;
	v23 =	vld.idx.msk [tilespmem:v28+s23+$0x0], $0xffff  }
0x76: {  	[tilespmem:s2+$0xC1A0] =	vst v25;
	v12 =	vadd.f32 v21, v12;
	v9 =	vadd.f32 v9, v16;
	v16 =	vld.idx.msk [tilespmem:v30+s24+$0x0], $0xffff  }
0x77: {  	[tilespmem:s3+$0xC1B0] =	vst v8;
	v8 =	vadd.f32 v22, v17;
	v17 =	vld.idx.msk [tilespmem:v31+s24+$0x0], $0xffff;
	v10 =	vmul.f32 v33, v10  }
0x78: {  	v6 =	vmul.f32 v24, v6;
	[tilespmem:s3+$0xC180] =	vst v9;
	v9 =	vmul.f32 v19, v11;
	v11 =	vld.idx.msk [tilespmem:v30+s23+$0x0], $0xffff  }
0x79: {  	v7 =	vmul.f32 v20, v7;
	[tilespmem:s1+$0xC190] =	vst v8;
	v8 =	vadd.f32 v10, v27;
	v10 =	vld.idx.msk [tilespmem:v31+s23+$0x0], $0xffff  }
0x7a: {  	[tilespmem:s1+$0xC1A0] =	vst v12;
	v6 =	vadd.f32 v6, v18  }
0x7b: {  	v7 =	vadd.f32 v7, v15;
	[tilespmem:s8+$0xC1B0] =	vst v8;
	v8 =	vmul.f32 v16, v14  }
0x7c: {  	[tilespmem:s3+$0xC190] =	vst v6;
	v9 =	vadd.f32 v9, v23;
	v12 =	vmul.f32 v17, v13  }
0x7d: {  	[tilespmem:s3+$0xC1A0] =	vst v7;
	v6 =	vadd.f32 v8, v11  }
0x7e: {  	[tilespmem:s8+$0xC180] =	vst v9;
	v7 =	vadd.f32 v12, v10  }
0x7f: {  	[tilespmem:s8+$0xC190] =	vst v6  }
0x80: {  	[tilespmem:s8+$0xC1A0] =	vst v7  }
0x81: {  	s7 =	simm.s32 $0x0;
	s9 =	simm.s32 $0x0;
	s2 =	rddreg [dreg:$0x6]  }
0x82: {  	[hbm4b:s2+s7] =	stream.linear.scatter [tilespmem:s25], [sflag:$0x3], $0x6000, $0x38;
	[tilespmem:$0x18180] =	vst v63  }
0x83: {  	s10 =	sand.u32 $0x7000, s9;
	s11 =	sand.u32 $0xC00, s7;
	s8 =	rddreg [dreg:$0x7]  }
0x84: {  	[tilespmem:s20], [sflag:$0x1] =	stream.linear.gather [hbm4b:s8+s7], $0x6000, $0x38;
	[tilespmem:$0x18180] =	vst v63  }
0x85: {  	s3 =	sor.u32 s10, s11;
	s1 =	sand.u32 $0x380, s7;
	_ =	swait.ge [sflag:s26], $0x6000  }
0x86: {  	s1 =	sor.u32 s1, s3;
	s2 =	sand.u32 $0x40, s9;
	[sflag:s26] =	ssyncset.done $0x0  }
0x87: {  	s2 =	sor.u32 s2, s1;
	[sflag:s26] =	ssyncadd.s32 $0xFFFFA000  }
0x88: {  	v6 =	vld [tilespmem:s2+$0x61B0]  }
0x89: {  	s12 =	simm.s32 $0x40;
	s14 =	simm.s32 $0x200  }
0x8a: {  	s15 =	sand.u32 $0x7000, s12;
	s3 =	sand.u32 $0xC00, s14;
	s9 =	simm.s32 $0x10;
	v10 =	vld [tilespmem:s2+$0x6180]  }
0x8b: {  	s3 =	sor.u32 s15, s3;
	s18 =	sand.u32 $0x380, s9;
	v11 =	vld [tilespmem:s2+$0x6190]  }
0x8c: {  	s1 =	sand.u32 $0x40, s12;
	s3 =	sor.u32 s18, s3;
	v12 =	vld [tilespmem:s2+$0x61A0]  }
0x8d: {  	s1 =	sor.u32 s1, s3;
	v7 =	vmul.f32 $3.100000000e+01, v6  }
0x8e: {  	v19 =	vld [tilespmem:s1+$0x61A0]  }
0x8f: {  	v8 =	vmul.f32 $3.100000000e+01, v10;
	v7 =	vtrunc.f32 v7  }
0x90: {  	v9 =	vmul.f32 $3.100000000e+01, v11;
	v7 =	vcvt.f32.s32 v7  }
0x91: {  	v13 =	vmul.f32 $3.100000000e+01, v12;
	v8 =	vtrunc.f32 v8  }
0x92: {  	v9 =	vtrunc.f32 v9;
	v8 =	vcvt.f32.s32 v8;
	vm4 =	vgt.s32 v7, $0x0  }
0x93: {  	v24 =	vmul.f32 $3.100000000e+01, v19;
	v9 =	vcvt.f32.s32 v9;
	v7 =	vnsel vm4, $0x0, v7  }
0x94: {  	v14 =	vld [tilespmem:s1+$0x61B0];
	v13 =	vtrunc.f32 v13;
	vm5 =	vgt.s32 v8, $0x0;
	v7 =	vmin.u32 v7, $0x1E  }
0x95: {  	v13 =	vcvt.f32.s32 v13;
	vm6 =	vgt.s32 v9, $0x0;
	v8 =	vnsel vm5, $0x0, v8  }
0x96: {  	v18 =	vld [tilespmem:s1+$0x6190];
	v9 =	vnsel vm6, $0x0, v9;
	v8 =	vmin.u32 v8, $0x1E  }
0x97: {  	v24 =	vtrunc.f32 v24;
	vm7 =	vgt.s32 v13, $0x0;
	v16 =	vmin.u32 v9, $0x1E  }
0x98: {  	v15 =	vld [tilespmem:s1+$0x6180];
	v24 =	vcvt.f32.s32 v24;
	v9 =	vnsel vm7, $0x0, v13  }
0x99: {  	s11 =	simm.s32 $0x400;
	s7 =	simm.s32 $0x80;
	v13 =	vmin.u32 v9, $0x1E;
	v9 =	vmul.f32 $3.100000000e+01, v14;
	v17 =	vld.idx.msk [tilespmem:v7+s24+$0x0], $0xffff  }
0x9a: {  	s10 =	simm.s32 $0x20;
	s8 =	sand.u32 $0xC00, s11;
	s12 =	sand.u32 $0x7000, s7;
	vm11 =	vgt.s32 v24, $0x0;
	v20 =	vld.idx.msk [tilespmem:v7+s23+$0x0], $0xffff  }
0x9b: {  	s14 =	sand.u32 $0x380, s10;
	s8 =	sor.u32 s12, s8;
	v22 =	vmul.f32 $3.100000000e+01, v18;
	v24 =	vnsel vm11, $0x0, v24;
	v9 =	vtrunc.f32 v9;
	v21 =	vld.idx.msk [tilespmem:v8+s24+$0x0], $0xffff  }
0x9c: {  	s3 =	sand.u32 $0x40, s7;
	s8 =	sor.u32 s14, s8;
	v31 =	vmin.u32 v24, $0x1E;
	v9 =	vcvt.f32.s32 v9;
	v23 =	vld.idx.msk [tilespmem:v16+s24+$0x0], $0xffff  }
0x9d: {  	s3 =	sor.u32 s3, s8;
	v22 =	vtrunc.f32 v22;
	v7 =	vmul.f32 $3.100000000e+01, v15;
	v26 =	vld.idx.msk [tilespmem:v8+s23+$0x0], $0xffff  }
0x9e: {  	v22 =	vcvt.f32.s32 v22;
	v8 =	vld [tilespmem:s3+$0x61B0];
	vm8 =	vgt.s32 v9, $0x0  }
0x9f: {  	v25 =	vld.idx.msk [tilespmem:v13+s24+$0x0], $0xffff;
	v7 =	vtrunc.f32 v7;
	v9 =	vnsel vm8, $0x0, v9  }
0xa0: {  	vm10 =	vgt.s32 v22, $0x0;
	v7 =	vcvt.f32.s32 v7;
	v27 =	vmin.u32 v9, $0x1E;
	v9 =	vld [tilespmem:s3+$0x6180]  }
0xa1: {  	v22 =	vnsel vm10, $0x0, v22;
	v29 =	vld.idx.msk [tilespmem:v31+s24+$0x0], $0xffff  }
0xa2: {  	v22 =	vmin.u32 v22, $0x1E;
	vm9 =	vgt.s32 v7, $0x0;
	v17 =	vmul.f32 v17, v6;
	v6 =	vld [tilespmem:s3+$0x6190]  }
0xa3: {  	v63 =	vld.idx.msk [tilespmem:v13+s23+$0x0], $0xffff;
	v21 =	vmul.f32 v21, v10;
	v10 =	vmul.f32 $3.100000000e+01, v8;
	v7 =	vnsel vm9, $0x0, v7  }
0xa4: {  	v62 =	vmul.f32 v23, v11;
	v25 =	vmul.f32 v25, v12;
	v28 =	vmin.u32 v7, $0x1E;
	v7 =	vld [tilespmem:s3+$0x61A0]  }
0xa5: {  	v10 =	vtrunc.f32 v10;
	v11 =	vld.idx.msk [tilespmem:v27+s24+$0x0], $0xffff;
	v12 =	vmul.f32 $3.100000000e+01, v9  }
0xa6: {  	s10 =	simm.s32 $0x600;
	s9 =	simm.s32 $0xC0;
	v30 =	vld.idx.msk [tilespmem:v16+s23+$0x0], $0xffff;
	v21 =	vadd.f32 v21, v26;
	v10 =	vcvt.f32.s32 v10  }
0xa7: {  	s15 =	sand.u32 $0x7000, s9;
	s11 =	simm.s32 $0x30;
	s12 =	sand.u32 $0xC00, s10;
	v16 =	vld.idx.msk [tilespmem:v27+s23+$0x0], $0xffff;
	v13 =	vmul.f32 $3.100000000e+01, v6;
	v12 =	vtrunc.f32 v12  }
0xa8: {  	s18 =	sand.u32 $0x380, s11;
	s8 =	sor.u32 s15, s12;
	v17 =	vadd.f32 v17, v20;
	v27 =	vld.idx.msk [tilespmem:v22+s24+$0x0], $0xffff;
	[tilespmem:s2+$0x12180] =	vst v21;
	v21 =	vmul.f32 v29, v19;
	v12 =	vcvt.f32.s32 v12  }
0xa9: {  	s14 =	sand.u32 $0x40, s9;
	s8 =	sor.u32 s18, s8;
	v25 =	vadd.f32 v25, v63;
	v23 =	vmul.f32 $3.100000000e+01, v7;
	v24 =	vld.idx.msk [tilespmem:v28+s24+$0x0], $0xffff;
	v13 =	vtrunc.f32 v13  }
0xaa: {  	s8 =	sor.u32 s14, s8;
	vm12 =	vgt.s32 v10, $0x0;
	v28 =	vld.idx.msk [tilespmem:v28+s23+$0x0], $0xffff;
	v13 =	vcvt.f32.s32 v13;
	v14 =	vmul.f32 v11, v14  }
0xab: {  	vm13 =	vgt.s32 v12, $0x0;
	v20 =	vtrunc.f32 v23;
	v23 =	vnsel vm12, $0x0, v10;
	v10 =	vld [tilespmem:s8+$0x61B0]  }
0xac: {  	v11 =	vld [tilespmem:s8+$0x6180];
	v12 =	vnsel vm13, $0x0, v12;
	v20 =	vcvt.f32.s32 v20;
	v23 =	vmin.u32 v23, $0x1E  }
0xad: {  	vm14 =	vgt.s32 v13, $0x0;
	v26 =	vadd.f32 v14, v16;
	v14 =	vld [tilespmem:s8+$0x6190];
	v16 =	vmin.u32 v12, $0x1E  }
0xae: {  	v34 =	vnsel vm14, $0x0, v13;
	v13 =	vld [tilespmem:s8+$0x61A0];
	vm15 =	vgt.s32 v20, $0x0;
	v12 =	vmul.f32 v24, v15  }
0xaf: {  	[tilespmem:s2+$0x121B0] =	vst v17;
	v17 =	vld.idx.msk [tilespmem:v22+s23+$0x0], $0xffff;
	v22 =	vmul.f32 v27, v18;
	v24 =	vmin.u32 v34, $0x1E;
	v20 =	vnsel vm15, $0x0, v20  }
0xb0: {  	v20 =	vmin.u32 v20, $0x1E;
	v29 =	vmul.f32 $3.100000000e+01, v10;
	v27 =	vadd.f32 v12, v28;
	v12 =	vld.idx.msk [tilespmem:v31+s23+$0x0], $0xffff  }
0xb1: {  	[tilespmem:s1+$0x121B0] =	vst v26;
	v26 =	vadd.f32 v62, v30;
	v18 =	vmovc v24;
	v28 =	vmul.f32 $3.100000000e+01, v11;
	v19 =	vld.idx.msk [tilespmem:v23+s24+$0x0], $0xffff;
	v15 =	vmov v20  }
.LBB2_4:
0xb2: {  	s9 =	sadd.s32 $0x40, s9;
	v30 =	vmul.f32 $3.100000000e+01, v14;
	v29 =	vtrunc.f32 v29;
	s10 =	sadd.s32 $0x200, s10;
	v31 =	vld.idx.msk [tilespmem:v23+s23+$0x0], $0xffff;
	[tilespmem:s1+$0x12180] =	vst v27;
	v27 =	vmovc v14;
	v32 =	vmovc v22;
	v33 =	vmov v21  }
0xb3: {  	s11 =	sadd.s32 $0x10, s11;
	s12 =	sand.u32 $0x7000, s9;
	s14 =	sand.u32 $0xC00, s10;
	v14 =	vmul.f32 $3.100000000e+01, v13;
	v21 =	vcvt.f32.s32 v29;
	v22 =	vld.idx.msk [tilespmem:v16+s24+$0x0], $0xffff;
	[tilespmem:s2+$0x12190] =	vst v26;
	v34 =	vmov v13  }
0xb4: {  	p0 =	slt.u32 s9, $0x5FC0;
	v13 =	vtrunc.f32 v28;
	s12 =	sor.u32 s12, s14;
	s14 =	sand.u32 $0x380, s11;
	v23 =	vtrunc.f32 v30;
	v26 =	vld.idx.msk [tilespmem:v24+s24+$0x0], $0xffff;
	[tilespmem:s2+$0x121A0] =	vst v25  }
0xb5: {  	s15 =	sand.u32 $0x40, s9;
	v13 =	vcvt.f32.s32 v13;
	v28 =	vmovc v17;
	s2 =	smov.u32 s1;
	s12 =	sor.u32 s14, s12;
	v14 =	vtrunc.f32 v14;
	vm0 =	vgt.s32 v21, $0x0;
	v25 =	vld.idx.msk [tilespmem:v20+s24+$0x0], $0xffff  }
0xb6: {  	s1 =	smov.u32 s3;
	s3 =	smov.u32 s8;
	v17 =	vcvt.f32.s32 v23;
	v20 =	vnsel vm0, $0x0, v21;
	v30 =	vld.idx.msk [tilespmem:v16+s23+$0x0], $0xffff;
	v16 =	vmul.f32 v19, v8;
	v8 =	vmovc v10;
	s8 =	sor.u32 s15, s12  }
0xb7: {  	vm0 =	vgt.s32 v13, $0x0;
	v19 =	vcvt.f32.s32 v14;
	v10 =	vld [tilespmem:s8+$0x61B0];
	v23 =	vmin.u32 v20, $0x1E  }
0xb8: {  	v13 =	vnsel vm0, $0x0, v13;
	vm0 =	vgt.s32 v17, $0x0;
	v35 =	vld [tilespmem:s8+$0x6180];
	v20 =	vadd.f32 v16, v31  }
.Ltmp1:
0xb9: {  	v16 =	vmin.u32 v13, $0x1E;
	v17 =	vnsel vm0, $0x0, v17;
	vm0 =	vgt.s32 v19, $0x0;
	v14 =	vld [tilespmem:s8+$0x6190];
	(pc) =	sbr.rel @p0 .LBB2_4-.Ltmp1, $4  }
0xba: {  	v31 =	vmul.f32 v22, v9;
	v9 =	vmovc v11;
	v24 =	vmin.u32 v17, $0x1E;
	v17 =	vnsel vm0, $0x0, v19;
	v13 =	vld [tilespmem:s8+$0x61A0];
	[tilespmem:s1+$0x121B0] =	vst v20  }
0xbb: {  	v22 =	vmul.f32 v26, v6;
	v6 =	vmovc v27;
	v20 =	vmin.u32 v17, $0x1E;
	v21 =	vmul.f32 v25, v7;
	v17 =	vld.idx.msk [tilespmem:v18+s23+$0x0], $0xffff  }
0xbc: {  	v26 =	vadd.f32 v32, v28;
	v7 =	vmovc v34;
	v27 =	vadd.f32 v31, v30;
	v29 =	vmul.f32 $3.100000000e+01, v10;
	v19 =	vld.idx.msk [tilespmem:v23+s24+$0x0], $0xffff  }
0xbd: {  	v25 =	vadd.f32 v33, v12;
	v18 =	vmovc v24;
	v28 =	vmul.f32 $3.100000000e+01, v35;
	v12 =	vld.idx.msk [tilespmem:v15+s23+$0x0], $0xffff;
	v11 =	vmovc v35;
	v15 =	vmov v20  }
0xbe: {  	_ = 	snop  }
0xbf: {  	v29 =	vtrunc.f32 v29  }
0xc0: {  	v30 =	vmul.f32 $3.100000000e+01, v14;
	v29 =	vcvt.f32.s32 v29  }
0xc1: {  	v28 =	vtrunc.f32 v28;
	v31 =	vmul.f32 $3.100000000e+01, v13  }
0xc2: {  	v23 =	vld.idx.msk [tilespmem:v23+s23+$0x0], $0xffff;
	v28 =	vcvt.f32.s32 v28;
	vm0 =	vgt.s32 v29, $0x0  }
0xc3: {  	v32 =	vld.idx.msk [tilespmem:v16+s24+$0x0], $0xffff;
	v30 =	vtrunc.f32 v30;
	v31 =	vtrunc.f32 v31;
	v29 =	vnsel vm0, $0x0, v29  }
0xc4: {  	v24 =	vld.idx.msk [tilespmem:v24+s24+$0x0], $0xffff;
	v30 =	vcvt.f32.s32 v30;
	vm13 =	vgt.s32 v28, $0x0;
	v29 =	vmin.u32 v29, $0x1E  }
0xc5: {  	v20 =	vld.idx.msk [tilespmem:v20+s24+$0x0], $0xffff;
	v31 =	vcvt.f32.s32 v31;
	v28 =	vnsel vm13, $0x0, v28  }
0xc6: {  	v51 =	vld.idx.msk [tilespmem:v16+s23+$0x0], $0xffff;
	vm14 =	vgt.s32 v30, $0x0;
	v28 =	vmin.u32 v28, $0x1E  }
0xc7: {  	v18 =	vld.idx.msk [tilespmem:v18+s23+$0x0], $0xffff;
	v30 =	vnsel vm14, $0x0, v30;
	vm15 =	vgt.s32 v31, $0x0  }
0xc8: {  	v15 =	vld.idx.msk [tilespmem:v15+s23+$0x0], $0xffff;
	v30 =	vmin.u32 v30, $0x1E;
	v31 =	vnsel vm15, $0x0, v31  }
0xc9: {  	v31 =	vmin.u32 v31, $0x1E;
	v33 =	vld.idx.msk [tilespmem:v29+s24+$0x0], $0xffff  }
0xca: {  	v53 =	vld.idx.msk [tilespmem:v29+s23+$0x0], $0xffff  }
0xcb: {  	[tilespmem:s1+$0x12180] =	vst v27;
	v52 =	vld.idx.msk [tilespmem:v28+s24+$0x0], $0xffff  }
0xcc: {  	[tilespmem:s2+$0x12190] =	vst v26;
	v56 =	vadd.f32 v22, v17;
	v8 =	vmul.f32 v19, v8;
	v54 =	vld.idx.msk [tilespmem:v28+s23+$0x0], $0xffff  }
0xcd: {  	[tilespmem:s2+$0x121A0] =	vst v25;
	v12 =	vadd.f32 v21, v12;
	v9 =	vmul.f32 v32, v9;
	v55 =	vld.idx.msk [tilespmem:v30+s24+$0x0], $0xffff  }
0xce: {  	[tilespmem:s1+$0x12190] =	vst v56;
	v8 =	vadd.f32 v8, v23;
	v6 =	vmul.f32 v24, v6;
	v57 =	vld.idx.msk [tilespmem:v31+s24+$0x0], $0xffff  }
0xcf: {  	v7 =	vmul.f32 v20, v7;
	[tilespmem:s1+$0x121A0] =	vst v12;
	v9 =	vadd.f32 v9, v51;
	v59 =	vld.idx.msk [tilespmem:v30+s23+$0x0], $0xffff  }
0xd0: {  	[tilespmem:s3+$0x121B0] =	vst v8;
	v6 =	vadd.f32 v6, v18;
	v61 =	vld.idx.msk [tilespmem:v31+s23+$0x0], $0xffff;
	v10 =	vmul.f32 v33, v10  }
0xd1: {  	v7 =	vadd.f32 v7, v15;
	[tilespmem:s3+$0x12180] =	vst v9;
	v58 =	vmul.f32 v52, v11  }
0xd2: {  	[tilespmem:s3+$0x12190] =	vst v6;
	v60 =	vadd.f32 v10, v53;
	v62 =	vmul.f32 v55, v14  }
0xd3: {  	[tilespmem:s3+$0x121A0] =	vst v7;
	v9 =	vadd.f32 v58, v54;
	v63 =	vmul.f32 v57, v13  }
0xd4: {  	[tilespmem:s8+$0x121B0] =	vst v60;
	v6 =	vadd.f32 v62, v59  }
0xd5: {  	[tilespmem:s8+$0x12180] =	vst v9;
	v7 =	vadd.f32 v63, v61  }
0xd6: {  	[tilespmem:s8+$0x12190] =	vst v6  }
0xd7: {  	[tilespmem:s8+$0x121A0] =	vst v7  }
0xd8: {  	s1 =	rddreg [dreg:$0x8]  }
0xd9: {  	[hbm4b:s1+s5] =	stream.linear.scatter [tilespmem:s28], [sflag:$0x4], $0x6000, $0x38;
	[tilespmem:$0x18180] =	vst v63  }
0xda: {  	s3 =	simm.s32 $0x1;
	s18 =	rddreg [dreg:$0x9]  }
0xdb: {  	[tilespmem:s21], [sflag:$0x2] =	stream.linear.gather [hbm4b:s18+s5], $0x6000, $0x38;
	[tilespmem:$0x18180] =	vst v63  }
.LBB2_6:
0xdc: {  	_ =	swait.ge [sflag:s29], $0x6000  }
0xdd: {  	s1 =	simm.s32 $0x0;
	s2 =	simm.s32 $0x0;
	[sflag:s29] =	ssyncset.done $0x0  }
0xde: {  	s8 =	sand.u32 $0x7000, s2;
	s9 =	sand.u32 $0xC00, s1;
	[sflag:s29] =	ssyncadd.s32 $0xFFFFA000  }
0xdf: {  	s1 =	sand.u32 $0x380, s1;
	s8 =	sor.u32 s8, s9;
	_ =	swait.ge [sflag:s22], $0x6000  }
0xe0: {  	s2 =	sand.u32 $0x40, s2;
	s1 =	sor.u32 s1, s8;
	[sflag:s22] =	ssyncset.done $0x0  }
0xe1: {  	s2 =	sor.u32 s2, s1;
	[sflag:s22] =	ssyncadd.s32 $0xFFFFA000  }
0xe2: {  	v6 =	vld [tilespmem:s2+$0x1B0];
	_ =	sdelay $0x1  }
0xe3: {  	v10 =	vld [tilespmem:s2+$0x180]  }
0xe4: {  	v11 =	vld [tilespmem:s2+$0x190]  }
0xe5: {  	v12 =	vld [tilespmem:s2+$0x1A0]  }
0xe6: {  	s12 =	simm.s32 $0x40;
	s14 =	simm.s32 $0x200;
	v7 =	vmul.f32 $3.100000000e+01, v6  }
0xe7: {  	s10 =	simm.s32 $0x10;
	s15 =	sand.u32 $0x7000, s12;
	s8 =	sand.u32 $0xC00, s14  }
0xe8: {  	s18 =	sand.u32 $0x380, s10;
	s8 =	sor.u32 s15, s8;
	v8 =	vmul.f32 $3.100000000e+01, v10;
	v7 =	vtrunc.f32 v7  }
0xe9: {  	s1 =	sand.u32 $0x40, s12;
	s8 =	sor.u32 s18, s8;
	v9 =	vmul.f32 $3.100000000e+01, v11;
	v7 =	vcvt.f32.s32 v7  }
0xea: {  	s1 =	sor.u32 s1, s8;
	v13 =	vmul.f32 $3.100000000e+01, v12;
	v8 =	vtrunc.f32 v8  }
0xeb: {  	v19 =	vld [tilespmem:s1+$0x1A0];
	v9 =	vtrunc.f32 v9;
	v8 =	vcvt.f32.s32 v8;
	vm0 =	vgt.s32 v7, $0x0  }
0xec: {  	v9 =	vcvt.f32.s32 v9;
	v7 =	vnsel vm0, $0x0, v7  }
0xed: {  	v14 =	vld [tilespmem:s1+$0x1B0];
	v13 =	vtrunc.f32 v13;
	vm5 =	vgt.s32 v8, $0x0;
	v7 =	vmin.u32 v7, $0x1E  }
0xee: {  	v13 =	vcvt.f32.s32 v13;
	vm6 =	vgt.s32 v9, $0x0;
	v8 =	vnsel vm5, $0x0, v8  }
0xef: {  	v18 =	vld [tilespmem:s1+$0x190];
	v9 =	vnsel vm6, $0x0, v9;
	v8 =	vmin.u32 v8, $0x1E  }
0xf0: {  	v24 =	vmul.f32 $3.100000000e+01, v19;
	vm7 =	vgt.s32 v13, $0x0;
	v16 =	vmin.u32 v9, $0x1E  }
0xf1: {  	v15 =	vld [tilespmem:s1+$0x180];
	v9 =	vnsel vm7, $0x0, v13  }
0xf2: {  	s7 =	simm.s32 $0x80;
	s11 =	simm.s32 $0x400;
	v24 =	vtrunc.f32 v24;
	v13 =	vmin.u32 v9, $0x1E;
	v9 =	vmul.f32 $3.100000000e+01, v14;
	v17 =	vld.idx.msk [tilespmem:v7+s24+$0x0], $0xffff  }
0xf3: {  	s9 =	sand.u32 $0xC00, s11;
	s11 =	simm.s32 $0x20;
	s12 =	sand.u32 $0x7000, s7;
	v24 =	vcvt.f32.s32 v24;
	v20 =	vld.idx.msk [tilespmem:v7+s23+$0x0], $0xffff  }
0xf4: {  	s14 =	sand.u32 $0x380, s11;
	s9 =	sor.u32 s12, s9;
	v22 =	vmul.f32 $3.100000000e+01, v18;
	v9 =	vtrunc.f32 v9;
	v21 =	vld.idx.msk [tilespmem:v8+s24+$0x0], $0xffff  }
0xf5: {  	s8 =	sand.u32 $0x40, s7;
	s9 =	sor.u32 s14, s9;
	vm11 =	vgt.s32 v24, $0x0;
	v9 =	vcvt.f32.s32 v9;
	v23 =	vld.idx.msk [tilespmem:v16+s24+$0x0], $0xffff  }
0xf6: {  	s8 =	sor.u32 s8, s9;
	v22 =	vtrunc.f32 v22;
	v24 =	vnsel vm11, $0x0, v24;
	v7 =	vmul.f32 $3.100000000e+01, v15;
	v26 =	vld.idx.msk [tilespmem:v8+s23+$0x0], $0xffff  }
0xf7: {  	v22 =	vcvt.f32.s32 v22;
	v31 =	vmin.u32 v24, $0x1E;
	v8 =	vld [tilespmem:s8+$0x1B0];
	vm8 =	vgt.s32 v9, $0x0  }
0xf8: {  	v25 =	vld.idx.msk [tilespmem:v13+s24+$0x0], $0xffff;
	v7 =	vtrunc.f32 v7;
	v9 =	vnsel vm8, $0x0, v9  }
0xf9: {  	vm10 =	vgt.s32 v22, $0x0;
	v7 =	vcvt.f32.s32 v7;
	v27 =	vmin.u32 v9, $0x1E;
	v9 =	vld [tilespmem:s8+$0x180]  }
0xfa: {  	v22 =	vnsel vm10, $0x0, v22;
	v33 =	vld.idx.msk [tilespmem:v13+s23+$0x0], $0xffff  }
0xfb: {  	v22 =	vmin.u32 v22, $0x1E;
	vm9 =	vgt.s32 v7, $0x0;
	v17 =	vmul.f32 v17, v6;
	v6 =	vld [tilespmem:s8+$0x190]  }
0xfc: {  	v29 =	vld.idx.msk [tilespmem:v31+s24+$0x0], $0xffff;
	v21 =	vmul.f32 v21, v10;
	v10 =	vmul.f32 $3.100000000e+01, v8;
	v7 =	vnsel vm9, $0x0, v7  }
0xfd: {  	v32 =	vmul.f32 v23, v11;
	v25 =	vmul.f32 v25, v12;
	v28 =	vmin.u32 v7, $0x1E;
	v7 =	vld [tilespmem:s8+$0x1A0]  }
0xfe: {  	v10 =	vtrunc.f32 v10;
	v11 =	vld.idx.msk [tilespmem:v27+s24+$0x0], $0xffff;
	v12 =	vmul.f32 $3.100000000e+01, v9  }
0xff: {  	s10 =	simm.s32 $0xC0;
	s11 =	simm.s32 $0x600;
	v30 =	vld.idx.msk [tilespmem:v16+s23+$0x0], $0xffff;
	v21 =	vadd.f32 v21, v26;
	v10 =	vcvt.f32.s32 v10  }
0x100: {  	s15 =	sand.u32 $0x7000, s10;
	s12 =	simm.s32 $0x30;
	s14 =	sand.u32 $0xC00, s11;
	v16 =	vld.idx.msk [tilespmem:v27+s23+$0x0], $0xffff;
	v13 =	vmul.f32 $3.100000000e+01, v6;
	v12 =	vtrunc.f32 v12  }
0x101: {  	s18 =	sand.u32 $0x380, s12;
	s9 =	sor.u32 s15, s14;
	v17 =	vadd.f32 v17, v20;
	v27 =	vld.idx.msk [tilespmem:v22+s24+$0x0], $0xffff;
	[tilespmem:s2+$0xC180] =	vst v21;
	v21 =	vmul.f32 v29, v19;
	v12 =	vcvt.f32.s32 v12  }
0x102: {  	s15 =	sand.u32 $0x40, s10;
	s9 =	sor.u32 s18, s9;
	v25 =	vadd.f32 v25, v33;
	v23 =	vmul.f32 $3.100000000e+01, v7;
	v24 =	vld.idx.msk [tilespmem:v28+s24+$0x0], $0xffff;
	v13 =	vtrunc.f32 v13  }
0x103: {  	s9 =	sor.u32 s15, s9;
	vm12 =	vgt.s32 v10, $0x0;
	v28 =	vld.idx.msk [tilespmem:v28+s23+$0x0], $0xffff;
	v13 =	vcvt.f32.s32 v13;
	v14 =	vmul.f32 v11, v14  }
0x104: {  	vm13 =	vgt.s32 v12, $0x0;
	v20 =	vtrunc.f32 v23;
	v23 =	vnsel vm12, $0x0, v10;
	v10 =	vld [tilespmem:s9+$0x1B0]  }
0x105: {  	v11 =	vld [tilespmem:s9+$0x180];
	v12 =	vnsel vm13, $0x0, v12;
	v20 =	vcvt.f32.s32 v20;
	v23 =	vmin.u32 v23, $0x1E  }
0x106: {  	vm14 =	vgt.s32 v13, $0x0;
	v26 =	vadd.f32 v14, v16;
	v14 =	vld [tilespmem:s9+$0x190];
	v16 =	vmin.u32 v12, $0x1E  }
0x107: {  	v34 =	vnsel vm14, $0x0, v13;
	v13 =	vld [tilespmem:s9+$0x1A0];
	vm15 =	vgt.s32 v20, $0x0;
	v12 =	vmul.f32 v24, v15  }
0x108: {  	[tilespmem:s2+$0xC1B0] =	vst v17;
	v17 =	vld.idx.msk [tilespmem:v22+s23+$0x0], $0xffff;
	v22 =	vmul.f32 v27, v18;
	v24 =	vmin.u32 v34, $0x1E;
	v20 =	vnsel vm15, $0x0, v20  }
0x109: {  	v20 =	vmin.u32 v20, $0x1E;
	v29 =	vmul.f32 $3.100000000e+01, v10;
	v27 =	vadd.f32 v12, v28;
	v12 =	vld.idx.msk [tilespmem:v31+s23+$0x0], $0xffff  }
0x10a: {  	[tilespmem:s1+$0xC1B0] =	vst v26;
	v26 =	vadd.f32 v32, v30;
	v18 =	vmovc v24;
	v28 =	vmul.f32 $3.100000000e+01, v11;
	v19 =	vld.idx.msk [tilespmem:v23+s24+$0x0], $0xffff;
	v15 =	vmov v20  }
.LBB2_7:
0x10b: {  	s10 =	sadd.s32 $0x40, s10;
	v30 =	vmul.f32 $3.100000000e+01, v14;
	v29 =	vtrunc.f32 v29;
	s11 =	sadd.s32 $0x200, s11;
	v31 =	vld.idx.msk [tilespmem:v23+s23+$0x0], $0xffff;
	[tilespmem:s1+$0xC180] =	vst v27;
	v27 =	vmovc v14;
	v32 =	vmovc v22;
	v33 =	vmov v21  }
0x10c: {  	s12 =	sadd.s32 $0x10, s12;
	s14 =	sand.u32 $0x7000, s10;
	s15 =	sand.u32 $0xC00, s11;
	v14 =	vmul.f32 $3.100000000e+01, v13;
	v21 =	vcvt.f32.s32 v29;
	v22 =	vld.idx.msk [tilespmem:v16+s24+$0x0], $0xffff;
	[tilespmem:s2+$0xC190] =	vst v26;
	v34 =	vmov v13  }
0x10d: {  	p0 =	slt.u32 s10, $0x5FC0;
	v13 =	vtrunc.f32 v28;
	s14 =	sor.u32 s14, s15;
	s15 =	sand.u32 $0x380, s12;
	v23 =	vtrunc.f32 v30;
	v26 =	vld.idx.msk [tilespmem:v24+s24+$0x0], $0xffff;
	[tilespmem:s2+$0xC1A0] =	vst v25  }
0x10e: {  	s18 =	sand.u32 $0x40, s10;
	v13 =	vcvt.f32.s32 v13;
	v28 =	vmovc v17;
	s2 =	smov.u32 s1;
	s14 =	sor.u32 s15, s14;
	v14 =	vtrunc.f32 v14;
	vm0 =	vgt.s32 v21, $0x0;
	v25 =	vld.idx.msk [tilespmem:v20+s24+$0x0], $0xffff  }
0x10f: {  	s1 =	smov.u32 s8;
	s8 =	smov.u32 s9;
	v17 =	vcvt.f32.s32 v23;
	v20 =	vnsel vm0, $0x0, v21;
	v30 =	vld.idx.msk [tilespmem:v16+s23+$0x0], $0xffff;
	v16 =	vmul.f32 v19, v8;
	v8 =	vmovc v10;
	s9 =	sor.u32 s18, s14  }
0x110: {  	vm0 =	vgt.s32 v13, $0x0;
	v19 =	vcvt.f32.s32 v14;
	v10 =	vld [tilespmem:s9+$0x1B0];
	v23 =	vmin.u32 v20, $0x1E  }
0x111: {  	v13 =	vnsel vm0, $0x0, v13;
	vm0 =	vgt.s32 v17, $0x0;
	v35 =	vld [tilespmem:s9+$0x180];
	v20 =	vadd.f32 v16, v31  }
.Ltmp2:
0x112: {  	v16 =	vmin.u32 v13, $0x1E;
	v17 =	vnsel vm0, $0x0, v17;
	vm0 =	vgt.s32 v19, $0x0;
	v14 =	vld [tilespmem:s9+$0x190];
	(pc) =	sbr.rel @p0 .LBB2_7-.Ltmp2, $4  }
0x113: {  	v31 =	vmul.f32 v22, v9;
	v9 =	vmovc v11;
	v24 =	vmin.u32 v17, $0x1E;
	v17 =	vnsel vm0, $0x0, v19;
	v13 =	vld [tilespmem:s9+$0x1A0];
	[tilespmem:s1+$0xC1B0] =	vst v20  }
0x114: {  	v22 =	vmul.f32 v26, v6;
	v6 =	vmovc v27;
	v20 =	vmin.u32 v17, $0x1E;
	v21 =	vmul.f32 v25, v7;
	v17 =	vld.idx.msk [tilespmem:v18+s23+$0x0], $0xffff  }
0x115: {  	v26 =	vadd.f32 v32, v28;
	v7 =	vmovc v34;
	v27 =	vadd.f32 v31, v30;
	v29 =	vmul.f32 $3.100000000e+01, v10;
	v19 =	vld.idx.msk [tilespmem:v23+s24+$0x0], $0xffff  }
0x116: {  	v25 =	vadd.f32 v33, v12;
	v18 =	vmovc v24;
	v28 =	vmul.f32 $3.100000000e+01, v35;
	v12 =	vld.idx.msk [tilespmem:v15+s23+$0x0], $0xffff;
	v11 =	vmovc v35;
	v15 =	vmov v20  }
0x117: {  	_ = 	snop  }
0x118: {  	v29 =	vtrunc.f32 v29;
	v30 =	vmul.f32 $3.100000000e+01, v14  }
0x119: {  	v29 =	vcvt.f32.s32 v29;
	v28 =	vtrunc.f32 v28  }
0x11a: {  	v31 =	vmul.f32 $3.100000000e+01, v13;
	v28 =	vcvt.f32.s32 v28  }
0x11b: {  	v23 =	vld.idx.msk [tilespmem:v23+s23+$0x0], $0xffff;
	v30 =	vtrunc.f32 v30;
	vm0 =	vgt.s32 v29, $0x0  }
0x11c: {  	v32 =	vld.idx.msk [tilespmem:v16+s24+$0x0], $0xffff;
	v31 =	vtrunc.f32 v31;
	v29 =	vnsel vm0, $0x0, v29;
	vm13 =	vgt.s32 v28, $0x0  }
0x11d: {  	v24 =	vld.idx.msk [tilespmem:v24+s24+$0x0], $0xffff;
	v30 =	vcvt.f32.s32 v30;
	v29 =	vmin.u32 v29, $0x1E;
	v28 =	vnsel vm13, $0x0, v28  }
0x11e: {  	v20 =	vld.idx.msk [tilespmem:v20+s24+$0x0], $0xffff;
	v31 =	vcvt.f32.s32 v31;
	v28 =	vmin.u32 v28, $0x1E  }
0x11f: {  	v16 =	vld.idx.msk [tilespmem:v16+s23+$0x0], $0xffff;
	vm14 =	vgt.s32 v30, $0x0  }
0x120: {  	v18 =	vld.idx.msk [tilespmem:v18+s23+$0x0], $0xffff;
	v30 =	vnsel vm14, $0x0, v30;
	vm15 =	vgt.s32 v31, $0x0  }
0x121: {  	v15 =	vld.idx.msk [tilespmem:v15+s23+$0x0], $0xffff;
	v30 =	vmin.u32 v30, $0x1E;
	v31 =	vnsel vm15, $0x0, v31  }
0x122: {  	v31 =	vmin.u32 v31, $0x1E;
	v33 =	vld.idx.msk [tilespmem:v29+s24+$0x0], $0xffff  }
0x123: {  	v8 =	vmul.f32 v19, v8;
	v19 =	vld.idx.msk [tilespmem:v28+s24+$0x0], $0xffff  }
0x124: {  	[tilespmem:s1+$0xC180] =	vst v27;
	v9 =	vmul.f32 v32, v9;
	v27 =	vld.idx.msk [tilespmem:v29+s23+$0x0], $0xffff  }
0x125: {  	[tilespmem:s2+$0xC190] =	vst v26;
	v8 =	vadd.f32 v8, v23;
	v23 =	vld.idx.msk [tilespmem:v28+s23+$0x0], $0xffff  }
0x126: {  	[tilespmem:s2+$0xC1A0] =	vst v25;
	v12 =	vadd.f32 v21, v12;
	v9 =	vadd.f32 v9, v16;
	v16 =	vld.idx.msk [tilespmem:v30+s24+$0x0], $0xffff  }
0x127: {  	[tilespmem:s8+$0xC1B0] =	vst v8;
	v8 =	vadd.f32 v22, v17;
	v17 =	vld.idx.msk [tilespmem:v31+s24+$0x0], $0xffff;
	v10 =	vmul.f32 v33, v10  }
0x128: {  	v6 =	vmul.f32 v24, v6;
	[tilespmem:s8+$0xC180] =	vst v9;
	v9 =	vmul.f32 v19, v11;
	v11 =	vld.idx.msk [tilespmem:v30+s23+$0x0], $0xffff  }
0x129: {  	v7 =	vmul.f32 v20, v7;
	[tilespmem:s1+$0xC190] =	vst v8;
	v8 =	vadd.f32 v10, v27;
	v10 =	vld.idx.msk [tilespmem:v31+s23+$0x0], $0xffff  }
0x12a: {  	[tilespmem:s1+$0xC1A0] =	vst v12;
	v6 =	vadd.f32 v6, v18  }
0x12b: {  	v7 =	vadd.f32 v7, v15;
	[tilespmem:s9+$0xC1B0] =	vst v8;
	v8 =	vmul.f32 v16, v14  }
0x12c: {  	s2 =	smul.u32 $0x60, s3;
	[tilespmem:s8+$0xC190] =	vst v6;
	v9 =	vadd.f32 v9, v23;
	v12 =	vmul.f32 v17, v13  }
0x12d: {  	[tilespmem:s8+$0xC1A0] =	vst v7;
	v6 =	vadd.f32 v8, v11  }
0x12e: {  	s14 =	sadd.s32 s6, s2;
	[tilespmem:s9+$0xC180] =	vst v9;
	v7 =	vadd.f32 v12, v10  }
0x12f: {  	s1 =	sshll.u32 s14, $0x6;
	[tilespmem:s9+$0xC190] =	vst v6  }
0x130: {  	s15 =	simm.s32 $0x0;
	s18 =	sadd.s32 s2, s16;
	s1 =	sadd.s32 s4, s1;
	[tilespmem:s9+$0xC1A0] =	vst v7  }
0x131: {  	[hbm4b:s1+s15] =	stream.linear.scatter [tilespmem:s25], [sflag:$0x3], $0x6000, $0x38;
	[tilespmem:$0x18180] =	vst v63  }
0x132: {  	s1 =	sshll.u32 s18, $0x6  }
0x133: {  	s1 =	sadd.s32 s0, s1  }
0x134: {  	[tilespmem:s20], [sflag:$0x1] =	stream.linear.gather [hbm4b:s1+s15], $0x6000, $0x38;
	[tilespmem:$0x18180] =	vst v63  }
0x135: {  	_ =	swait.ge [sflag:s30], $0x6000  }
0x136: {  	s7 =	simm.s32 $0x0;
	[sflag:s30] =	ssyncset.done $0x0  }
0x137: {  	s11 =	sand.u32 $0x7000, s7;
	s10 =	sand.u32 $0xC00, s15;
	[sflag:s30] =	ssyncadd.s32 $0xFFFFA000  }
0x138: {  	s8 =	sand.u32 $0x380, s15;
	s9 =	sor.u32 s11, s10;
	_ =	swait.ge [sflag:s26], $0x6000  }
0x139: {  	s8 =	sor.u32 s8, s9;
	s1 =	sand.u32 $0x40, s7;
	[sflag:s26] =	ssyncset.done $0x0  }
0x13a: {  	s1 =	sor.u32 s1, s8;
	[sflag:s26] =	ssyncadd.s32 $0xFFFFA000  }
0x13b: {  	v6 =	vld [tilespmem:s1+$0x61B0]  }
0x13c: {  	s12 =	simm.s32 $0x40;
	s14 =	simm.s32 $0x200  }
0x13d: {  	s11 =	simm.s32 $0x10;
	s9 =	sand.u32 $0xC00, s14;
	s15 =	sand.u32 $0x7000, s12;
	v10 =	vld [tilespmem:s1+$0x6180]  }
0x13e: {  	s18 =	sand.u32 $0x380, s11;
	s9 =	sor.u32 s15, s9;
	v11 =	vld [tilespmem:s1+$0x6190]  }
0x13f: {  	s8 =	sand.u32 $0x40, s12;
	s9 =	sor.u32 s18, s9;
	v12 =	vld [tilespmem:s1+$0x61A0]  }
0x140: {  	s8 =	sor.u32 s8, s9;
	v7 =	vmul.f32 $3.100000000e+01, v6  }
0x141: {  	v19 =	vld [tilespmem:s8+$0x61A0]  }
0x142: {  	v8 =	vmul.f32 $3.100000000e+01, v10;
	v7 =	vtrunc.f32 v7  }
0x143: {  	v9 =	vmul.f32 $3.100000000e+01, v11;
	v7 =	vcvt.f32.s32 v7  }
0x144: {  	v13 =	vmul.f32 $3.100000000e+01, v12;
	v8 =	vtrunc.f32 v8  }
0x145: {  	v9 =	vtrunc.f32 v9;
	v8 =	vcvt.f32.s32 v8;
	vm4 =	vgt.s32 v7, $0x0  }
0x146: {  	v24 =	vmul.f32 $3.100000000e+01, v19;
	v9 =	vcvt.f32.s32 v9;
	v7 =	vnsel vm4, $0x0, v7  }
0x147: {  	v14 =	vld [tilespmem:s8+$0x61B0];
	v13 =	vtrunc.f32 v13;
	vm5 =	vgt.s32 v8, $0x0;
	v7 =	vmin.u32 v7, $0x1E  }
0x148: {  	v13 =	vcvt.f32.s32 v13;
	vm6 =	vgt.s32 v9, $0x0;
	v8 =	vnsel vm5, $0x0, v8  }
0x149: {  	v18 =	vld [tilespmem:s8+$0x6190];
	v9 =	vnsel vm6, $0x0, v9;
	v8 =	vmin.u32 v8, $0x1E  }
0x14a: {  	v24 =	vtrunc.f32 v24;
	vm7 =	vgt.s32 v13, $0x0;
	v16 =	vmin.u32 v9, $0x1E  }
0x14b: {  	v15 =	vld [tilespmem:s8+$0x6180];
	v24 =	vcvt.f32.s32 v24;
	v9 =	vnsel vm7, $0x0, v13  }
0x14c: {  	s7 =	simm.s32 $0x80;
	s12 =	simm.s32 $0x400;
	v13 =	vmin.u32 v9, $0x1E;
	v9 =	vmul.f32 $3.100000000e+01, v14;
	v17 =	vld.idx.msk [tilespmem:v7+s24+$0x0], $0xffff  }
0x14d: {  	s14 =	sand.u32 $0x7000, s7;
	s10 =	sand.u32 $0xC00, s12;
	s12 =	simm.s32 $0x20;
	vm11 =	vgt.s32 v24, $0x0;
	v20 =	vld.idx.msk [tilespmem:v7+s23+$0x0], $0xffff  }
0x14e: {  	s10 =	sor.u32 s14, s10;
	s15 =	sand.u32 $0x380, s12;
	v22 =	vmul.f32 $3.100000000e+01, v18;
	v24 =	vnsel vm11, $0x0, v24;
	v9 =	vtrunc.f32 v9;
	v21 =	vld.idx.msk [tilespmem:v8+s24+$0x0], $0xffff  }
0x14f: {  	s9 =	sand.u32 $0x40, s7;
	s10 =	sor.u32 s15, s10;
	v31 =	vmin.u32 v24, $0x1E;
	v9 =	vcvt.f32.s32 v9;
	v23 =	vld.idx.msk [tilespmem:v16+s24+$0x0], $0xffff  }
0x150: {  	s9 =	sor.u32 s9, s10;
	v22 =	vtrunc.f32 v22;
	v7 =	vmul.f32 $3.100000000e+01, v15;
	v26 =	vld.idx.msk [tilespmem:v8+s23+$0x0], $0xffff  }
0x151: {  	v22 =	vcvt.f32.s32 v22;
	v8 =	vld [tilespmem:s9+$0x61B0];
	vm8 =	vgt.s32 v9, $0x0  }
0x152: {  	v25 =	vld.idx.msk [tilespmem:v13+s24+$0x0], $0xffff;
	v7 =	vtrunc.f32 v7;
	v9 =	vnsel vm8, $0x0, v9  }
0x153: {  	vm10 =	vgt.s32 v22, $0x0;
	v7 =	vcvt.f32.s32 v7;
	v27 =	vmin.u32 v9, $0x1E;
	v9 =	vld [tilespmem:s9+$0x6180]  }
0x154: {  	v22 =	vnsel vm10, $0x0, v22;
	v29 =	vld.idx.msk [tilespmem:v31+s24+$0x0], $0xffff  }
0x155: {  	v22 =	vmin.u32 v22, $0x1E;
	vm9 =	vgt.s32 v7, $0x0;
	v17 =	vmul.f32 v17, v6;
	v6 =	vld [tilespmem:s9+$0x6190]  }
0x156: {  	v63 =	vld.idx.msk [tilespmem:v13+s23+$0x0], $0xffff;
	v21 =	vmul.f32 v21, v10;
	v10 =	vmul.f32 $3.100000000e+01, v8;
	v7 =	vnsel vm9, $0x0, v7  }
0x157: {  	v62 =	vmul.f32 v23, v11;
	v25 =	vmul.f32 v25, v12;
	v28 =	vmin.u32 v7, $0x1E;
	v7 =	vld [tilespmem:s9+$0x61A0]  }
0x158: {  	v10 =	vtrunc.f32 v10;
	v11 =	vld.idx.msk [tilespmem:v27+s24+$0x0], $0xffff;
	v12 =	vmul.f32 $3.100000000e+01, v9  }
0x159: {  	s11 =	simm.s32 $0xC0;
	s12 =	simm.s32 $0x600;
	v30 =	vld.idx.msk [tilespmem:v16+s23+$0x0], $0xffff;
	v21 =	vadd.f32 v21, v26;
	v10 =	vcvt.f32.s32 v10  }
0x15a: {  	s18 =	sand.u32 $0x7000, s11;
	s14 =	simm.s32 $0x30;
	s15 =	sand.u32 $0xC00, s12;
	v16 =	vld.idx.msk [tilespmem:v27+s23+$0x0], $0xffff;
	v13 =	vmul.f32 $3.100000000e+01, v6;
	v12 =	vtrunc.f32 v12  }
0x15b: {  	s7 =	sand.u32 $0x380, s14;
	s10 =	sor.u32 s18, s15;
	v17 =	vadd.f32 v17, v20;
	v27 =	vld.idx.msk [tilespmem:v22+s24+$0x0], $0xffff;
	[tilespmem:s1+$0x12180] =	vst v21;
	v21 =	vmul.f32 v29, v19;
	v12 =	vcvt.f32.s32 v12  }
0x15c: {  	s18 =	sand.u32 $0x40, s11;
	s10 =	sor.u32 s7, s10;
	v25 =	vadd.f32 v25, v63;
	v23 =	vmul.f32 $3.100000000e+01, v7;
	v24 =	vld.idx.msk [tilespmem:v28+s24+$0x0], $0xffff;
	v13 =	vtrunc.f32 v13  }
0x15d: {  	s10 =	sor.u32 s18, s10;
	vm12 =	vgt.s32 v10, $0x0;
	v28 =	vld.idx.msk [tilespmem:v28+s23+$0x0], $0xffff;
	v13 =	vcvt.f32.s32 v13;
	v14 =	vmul.f32 v11, v14  }
0x15e: {  	vm13 =	vgt.s32 v12, $0x0;
	v20 =	vtrunc.f32 v23;
	v23 =	vnsel vm12, $0x0, v10;
	v10 =	vld [tilespmem:s10+$0x61B0]  }
0x15f: {  	v11 =	vld [tilespmem:s10+$0x6180];
	v12 =	vnsel vm13, $0x0, v12;
	v20 =	vcvt.f32.s32 v20;
	v23 =	vmin.u32 v23, $0x1E  }
0x160: {  	vm14 =	vgt.s32 v13, $0x0;
	v26 =	vadd.f32 v14, v16;
	v14 =	vld [tilespmem:s10+$0x6190];
	v16 =	vmin.u32 v12, $0x1E  }
0x161: {  	v34 =	vnsel vm14, $0x0, v13;
	v13 =	vld [tilespmem:s10+$0x61A0];
	vm15 =	vgt.s32 v20, $0x0;
	v12 =	vmul.f32 v24, v15  }
0x162: {  	[tilespmem:s1+$0x121B0] =	vst v17;
	v17 =	vld.idx.msk [tilespmem:v22+s23+$0x0], $0xffff;
	v22 =	vmul.f32 v27, v18;
	v24 =	vmin.u32 v34, $0x1E;
	v20 =	vnsel vm15, $0x0, v20  }
0x163: {  	v20 =	vmin.u32 v20, $0x1E;
	v29 =	vmul.f32 $3.100000000e+01, v10;
	v27 =	vadd.f32 v12, v28;
	v12 =	vld.idx.msk [tilespmem:v31+s23+$0x0], $0xffff  }
0x164: {  	[tilespmem:s8+$0x121B0] =	vst v26;
	v26 =	vadd.f32 v62, v30;
	v18 =	vmovc v24;
	v28 =	vmul.f32 $3.100000000e+01, v11;
	v19 =	vld.idx.msk [tilespmem:v23+s24+$0x0], $0xffff;
	v15 =	vmov v20  }
.LBB2_9:
0x165: {  	s11 =	sadd.s32 $0x40, s11;
	v30 =	vmul.f32 $3.100000000e+01, v14;
	v29 =	vtrunc.f32 v29;
	s12 =	sadd.s32 $0x200, s12;
	v31 =	vld.idx.msk [tilespmem:v23+s23+$0x0], $0xffff;
	[tilespmem:s8+$0x12180] =	vst v27;
	v27 =	vmovc v14;
	v32 =	vmovc v22;
	v33 =	vmov v21  }
0x166: {  	s14 =	sadd.s32 $0x10, s14;
	s15 =	sand.u32 $0x7000, s11;
	s18 =	sand.u32 $0xC00, s12;
	v14 =	vmul.f32 $3.100000000e+01, v13;
	v21 =	vcvt.f32.s32 v29;
	v22 =	vld.idx.msk [tilespmem:v16+s24+$0x0], $0xffff;
	[tilespmem:s1+$0x12190] =	vst v26;
	v34 =	vmov v13  }
0x167: {  	p0 =	slt.u32 s11, $0x5FC0;
	v13 =	vtrunc.f32 v28;
	s15 =	sor.u32 s15, s18;
	s18 =	sand.u32 $0x380, s14;
	v23 =	vtrunc.f32 v30;
	v26 =	vld.idx.msk [tilespmem:v24+s24+$0x0], $0xffff;
	[tilespmem:s1+$0x121A0] =	vst v25  }
0x168: {  	s7 =	sand.u32 $0x40, s11;
	v13 =	vcvt.f32.s32 v13;
	v28 =	vmovc v17;
	s1 =	smov.u32 s8;
	s15 =	sor.u32 s18, s15;
	v14 =	vtrunc.f32 v14;
	vm0 =	vgt.s32 v21, $0x0;
	v25 =	vld.idx.msk [tilespmem:v20+s24+$0x0], $0xffff  }
0x169: {  	s8 =	smov.u32 s9;
	s9 =	smov.u32 s10;
	v17 =	vcvt.f32.s32 v23;
	v20 =	vnsel vm0, $0x0, v21;
	v30 =	vld.idx.msk [tilespmem:v16+s23+$0x0], $0xffff;
	v16 =	vmul.f32 v19, v8;
	v8 =	vmovc v10;
	s10 =	sor.u32 s7, s15  }
0x16a: {  	vm0 =	vgt.s32 v13, $0x0;
	v19 =	vcvt.f32.s32 v14;
	v10 =	vld [tilespmem:s10+$0x61B0];
	v23 =	vmin.u32 v20, $0x1E  }
0x16b: {  	v13 =	vnsel vm0, $0x0, v13;
	vm0 =	vgt.s32 v17, $0x0;
	v35 =	vld [tilespmem:s10+$0x6180];
	v20 =	vadd.f32 v16, v31  }
.Ltmp3:
0x16c: {  	v16 =	vmin.u32 v13, $0x1E;
	v17 =	vnsel vm0, $0x0, v17;
	vm0 =	vgt.s32 v19, $0x0;
	v14 =	vld [tilespmem:s10+$0x6190];
	(pc) =	sbr.rel @p0 .LBB2_9-.Ltmp3, $4  }
0x16d: {  	v31 =	vmul.f32 v22, v9;
	v9 =	vmovc v11;
	v24 =	vmin.u32 v17, $0x1E;
	v17 =	vnsel vm0, $0x0, v19;
	v13 =	vld [tilespmem:s10+$0x61A0];
	[tilespmem:s8+$0x121B0] =	vst v20  }
0x16e: {  	v22 =	vmul.f32 v26, v6;
	v6 =	vmovc v27;
	v20 =	vmin.u32 v17, $0x1E;
	v21 =	vmul.f32 v25, v7;
	v17 =	vld.idx.msk [tilespmem:v18+s23+$0x0], $0xffff  }
0x16f: {  	v26 =	vadd.f32 v32, v28;
	v7 =	vmovc v34;
	v27 =	vadd.f32 v31, v30;
	v29 =	vmul.f32 $3.100000000e+01, v10;
	v19 =	vld.idx.msk [tilespmem:v23+s24+$0x0], $0xffff  }
0x170: {  	v25 =	vadd.f32 v33, v12;
	v18 =	vmovc v24;
	v28 =	vmul.f32 $3.100000000e+01, v35;
	v12 =	vld.idx.msk [tilespmem:v15+s23+$0x0], $0xffff;
	v11 =	vmovc v35;
	v15 =	vmov v20  }
0x171: {  	_ = 	snop  }
0x172: {  	v29 =	vtrunc.f32 v29  }
0x173: {  	v30 =	vmul.f32 $3.100000000e+01, v14;
	v29 =	vcvt.f32.s32 v29  }
0x174: {  	v28 =	vtrunc.f32 v28;
	v31 =	vmul.f32 $3.100000000e+01, v13  }
0x175: {  	v23 =	vld.idx.msk [tilespmem:v23+s23+$0x0], $0xffff;
	v28 =	vcvt.f32.s32 v28;
	vm0 =	vgt.s32 v29, $0x0  }
0x176: {  	v32 =	vld.idx.msk [tilespmem:v16+s24+$0x0], $0xffff;
	v30 =	vtrunc.f32 v30;
	v31 =	vtrunc.f32 v31;
	v29 =	vnsel vm0, $0x0, v29  }
0x177: {  	v24 =	vld.idx.msk [tilespmem:v24+s24+$0x0], $0xffff;
	v30 =	vcvt.f32.s32 v30;
	vm13 =	vgt.s32 v28, $0x0;
	v29 =	vmin.u32 v29, $0x1E  }
0x178: {  	v20 =	vld.idx.msk [tilespmem:v20+s24+$0x0], $0xffff;
	v31 =	vcvt.f32.s32 v31;
	v28 =	vnsel vm13, $0x0, v28  }
0x179: {  	v51 =	vld.idx.msk [tilespmem:v16+s23+$0x0], $0xffff;
	vm14 =	vgt.s32 v30, $0x0;
	v28 =	vmin.u32 v28, $0x1E  }
0x17a: {  	v18 =	vld.idx.msk [tilespmem:v18+s23+$0x0], $0xffff;
	v30 =	vnsel vm14, $0x0, v30;
	vm15 =	vgt.s32 v31, $0x0  }
0x17b: {  	v15 =	vld.idx.msk [tilespmem:v15+s23+$0x0], $0xffff;
	v30 =	vmin.u32 v30, $0x1E;
	v31 =	vnsel vm15, $0x0, v31  }
0x17c: {  	v31 =	vmin.u32 v31, $0x1E;
	v33 =	vld.idx.msk [tilespmem:v29+s24+$0x0], $0xffff  }
0x17d: {  	v53 =	vld.idx.msk [tilespmem:v29+s23+$0x0], $0xffff  }
0x17e: {  	[tilespmem:s8+$0x12180] =	vst v27;
	v52 =	vld.idx.msk [tilespmem:v28+s24+$0x0], $0xffff  }
0x17f: {  	[tilespmem:s1+$0x12190] =	vst v26;
	v56 =	vadd.f32 v22, v17;
	v8 =	vmul.f32 v19, v8;
	v54 =	vld.idx.msk [tilespmem:v28+s23+$0x0], $0xffff  }
0x180: {  	[tilespmem:s1+$0x121A0] =	vst v25;
	v12 =	vadd.f32 v21, v12;
	v9 =	vmul.f32 v32, v9;
	v55 =	vld.idx.msk [tilespmem:v30+s24+$0x0], $0xffff  }
0x181: {  	[tilespmem:s8+$0x12190] =	vst v56;
	v8 =	vadd.f32 v8, v23;
	v6 =	vmul.f32 v24, v6;
	v57 =	vld.idx.msk [tilespmem:v31+s24+$0x0], $0xffff  }
0x182: {  	v7 =	vmul.f32 v20, v7;
	[tilespmem:s8+$0x121A0] =	vst v12;
	v9 =	vadd.f32 v9, v51;
	v59 =	vld.idx.msk [tilespmem:v30+s23+$0x0], $0xffff  }
0x183: {  	[tilespmem:s9+$0x121B0] =	vst v8;
	v6 =	vadd.f32 v6, v18;
	v61 =	vld.idx.msk [tilespmem:v31+s23+$0x0], $0xffff;
	v10 =	vmul.f32 v33, v10  }
0x184: {  	v7 =	vadd.f32 v7, v15;
	[tilespmem:s9+$0x12180] =	vst v9;
	v58 =	vmul.f32 v52, v11  }
0x185: {  	[tilespmem:s9+$0x12190] =	vst v6;
	v60 =	vadd.f32 v10, v53;
	v62 =	vmul.f32 v55, v14  }
0x186: {  	[tilespmem:s9+$0x121A0] =	vst v7;
	v9 =	vadd.f32 v58, v54;
	v63 =	vmul.f32 v57, v13  }
0x187: {  	[tilespmem:s10+$0x121B0] =	vst v60;
	v6 =	vadd.f32 v62, v59  }
0x188: {  	s15 =	sadd.s32 s2, s17;
	s3 =	sadd.s32 $0x1, s3;
	[tilespmem:s10+$0x12180] =	vst v9;
	v7 =	vadd.f32 v63, v61  }
0x189: {  	s1 =	sshll.u32 s15, $0x6;
	p0 =	sne.s32 s3, $0x7;
	[tilespmem:s10+$0x12190] =	vst v6  }
.Ltmp4:
0x18a: {  	s18 =	sadd.s32 s2, s13;
	s1 =	sadd.s32 s4, s1;
	[tilespmem:s10+$0x121A0] =	vst v7;
	(pc) =	sbr.rel @p0 .LBB2_6-.Ltmp4, $4  }
0x18b: {  	[hbm4b:s1+s5] =	stream.linear.scatter [tilespmem:s28], [sflag:$0x4], $0x6000, $0x38;
	[tilespmem:$0x18180] =	vst v63  }
0x18c: {  	s1 =	sshll.u32 s18, $0x6  }
0x18d: {  	s1 =	sadd.s32 s0, s1  }
0x18e: {  	[tilespmem:s21], [sflag:$0x2] =	stream.linear.gather [hbm4b:s1+s5], $0x6000, $0x38;
	[tilespmem:$0x18180] =	vst v63  }
0x18f: {  	_ =	swait.ge [sflag:s29], $0x6000  }
0x190: {  	s1 =	simm.s32 $0x0;
	s2 =	simm.s32 $0x0;
	[sflag:s29] =	ssyncset.done $0x0  }
0x191: {  	s3 =	sand.u32 $0x7000, s2;
	s7 =	sand.u32 $0xC00, s1;
	[sflag:s29] =	ssyncadd.s32 $0xFFFFA000  }
0x192: {  	s1 =	sand.u32 $0x380, s1;
	s3 =	sor.u32 s3, s7;
	_ =	swait.ge [sflag:s22], $0x6000  }
0x193: {  	s2 =	sand.u32 $0x40, s2;
	s1 =	sor.u32 s1, s3;
	[sflag:s22] =	ssyncset.done $0x0  }
0x194: {  	s1 =	sor.u32 s2, s1;
	[sflag:s22] =	ssyncadd.s32 $0xFFFFA000  }
0x195: {  	v6 =	vld [tilespmem:s1+$0x1B0];
	_ =	sdelay $0x1  }
0x196: {  	v10 =	vld [tilespmem:s1+$0x180]  }
0x197: {  	v11 =	vld [tilespmem:s1+$0x190]  }
0x198: {  	v12 =	vld [tilespmem:s1+$0x1A0]  }
0x199: {  	s11 =	simm.s32 $0x40;
	s12 =	simm.s32 $0x200;
	v7 =	vmul.f32 $3.100000000e+01, v6  }
0x19a: {  	s8 =	simm.s32 $0x10;
	s14 =	sand.u32 $0x7000, s11;
	s3 =	sand.u32 $0xC00, s12  }
0x19b: {  	s15 =	sand.u32 $0x380, s8;
	s3 =	sor.u32 s14, s3;
	v8 =	vmul.f32 $3.100000000e+01, v10;
	v7 =	vtrunc.f32 v7  }
0x19c: {  	s2 =	sand.u32 $0x40, s11;
	s3 =	sor.u32 s15, s3;
	v9 =	vmul.f32 $3.100000000e+01, v11;
	v7 =	vcvt.f32.s32 v7  }
0x19d: {  	s2 =	sor.u32 s2, s3;
	v13 =	vmul.f32 $3.100000000e+01, v12;
	v8 =	vtrunc.f32 v8  }
0x19e: {  	v19 =	vld [tilespmem:s2+$0x1A0];
	v9 =	vtrunc.f32 v9;
	v8 =	vcvt.f32.s32 v8;
	vm0 =	vgt.s32 v7, $0x0  }
0x19f: {  	v9 =	vcvt.f32.s32 v9;
	v7 =	vnsel vm0, $0x0, v7  }
0x1a0: {  	v14 =	vld [tilespmem:s2+$0x1B0];
	v13 =	vtrunc.f32 v13;
	vm5 =	vgt.s32 v8, $0x0;
	v7 =	vmin.u32 v7, $0x1E  }
0x1a1: {  	v13 =	vcvt.f32.s32 v13;
	vm6 =	vgt.s32 v9, $0x0;
	v8 =	vnsel vm5, $0x0, v8  }
0x1a2: {  	v18 =	vld [tilespmem:s2+$0x190];
	v9 =	vnsel vm6, $0x0, v9;
	v8 =	vmin.u32 v8, $0x1E  }
0x1a3: {  	v24 =	vmul.f32 $3.100000000e+01, v19;
	vm7 =	vgt.s32 v13, $0x0;
	v16 =	vmin.u32 v9, $0x1E  }
0x1a4: {  	v15 =	vld [tilespmem:s2+$0x180];
	v9 =	vnsel vm7, $0x0, v13  }
0x1a5: {  	s18 =	simm.s32 $0x80;
	s10 =	simm.s32 $0x400;
	v24 =	vtrunc.f32 v24;
	v13 =	vmin.u32 v9, $0x1E;
	v9 =	vmul.f32 $3.100000000e+01, v14;
	v17 =	vld.idx.msk [tilespmem:v7+s24+$0x0], $0xffff  }
0x1a6: {  	s9 =	simm.s32 $0x20;
	s7 =	sand.u32 $0xC00, s10;
	s11 =	sand.u32 $0x7000, s18;
	v24 =	vcvt.f32.s32 v24;
	v20 =	vld.idx.msk [tilespmem:v7+s23+$0x0], $0xffff  }
0x1a7: {  	s12 =	sand.u32 $0x380, s9;
	s7 =	sor.u32 s11, s7;
	v22 =	vmul.f32 $3.100000000e+01, v18;
	v9 =	vtrunc.f32 v9;
	v21 =	vld.idx.msk [tilespmem:v8+s24+$0x0], $0xffff  }
0x1a8: {  	s3 =	sand.u32 $0x40, s18;
	s7 =	sor.u32 s12, s7;
	vm11 =	vgt.s32 v24, $0x0;
	v9 =	vcvt.f32.s32 v9;
	v23 =	vld.idx.msk [tilespmem:v16+s24+$0x0], $0xffff  }
0x1a9: {  	s3 =	sor.u32 s3, s7;
	v22 =	vtrunc.f32 v22;
	v24 =	vnsel vm11, $0x0, v24;
	v7 =	vmul.f32 $3.100000000e+01, v15;
	v26 =	vld.idx.msk [tilespmem:v8+s23+$0x0], $0xffff  }
0x1aa: {  	v22 =	vcvt.f32.s32 v22;
	v31 =	vmin.u32 v24, $0x1E;
	v8 =	vld [tilespmem:s3+$0x1B0];
	vm8 =	vgt.s32 v9, $0x0  }
0x1ab: {  	v25 =	vld.idx.msk [tilespmem:v13+s24+$0x0], $0xffff;
	v7 =	vtrunc.f32 v7;
	v9 =	vnsel vm8, $0x0, v9  }
0x1ac: {  	vm10 =	vgt.s32 v22, $0x0;
	v7 =	vcvt.f32.s32 v7;
	v27 =	vmin.u32 v9, $0x1E;
	v9 =	vld [tilespmem:s3+$0x180]  }
0x1ad: {  	v22 =	vnsel vm10, $0x0, v22;
	v33 =	vld.idx.msk [tilespmem:v13+s23+$0x0], $0xffff  }
0x1ae: {  	v22 =	vmin.u32 v22, $0x1E;
	vm9 =	vgt.s32 v7, $0x0;
	v17 =	vmul.f32 v17, v6;
	v6 =	vld [tilespmem:s3+$0x190]  }
0x1af: {  	v29 =	vld.idx.msk [tilespmem:v31+s24+$0x0], $0xffff;
	v21 =	vmul.f32 v21, v10;
	v10 =	vmul.f32 $3.100000000e+01, v8;
	v7 =	vnsel vm9, $0x0, v7  }
0x1b0: {  	v32 =	vmul.f32 v23, v11;
	v25 =	vmul.f32 v25, v12;
	v28 =	vmin.u32 v7, $0x1E;
	v7 =	vld [tilespmem:s3+$0x1A0]  }
0x1b1: {  	v10 =	vtrunc.f32 v10;
	v11 =	vld.idx.msk [tilespmem:v27+s24+$0x0], $0xffff;
	v12 =	vmul.f32 $3.100000000e+01, v9  }
0x1b2: {  	s10 =	simm.s32 $0x600;
	s9 =	simm.s32 $0xC0;
	v30 =	vld.idx.msk [tilespmem:v16+s23+$0x0], $0xffff;
	v21 =	vadd.f32 v21, v26;
	v10 =	vcvt.f32.s32 v10  }
0x1b3: {  	s14 =	sand.u32 $0x7000, s9;
	s15 =	sand.u32 $0xC00, s10;
	s11 =	simm.s32 $0x30;
	v16 =	vld.idx.msk [tilespmem:v27+s23+$0x0], $0xffff;
	v13 =	vmul.f32 $3.100000000e+01, v6;
	v12 =	vtrunc.f32 v12  }
0x1b4: {  	s18 =	sand.u32 $0x380, s11;
	s7 =	sor.u32 s14, s15;
	v17 =	vadd.f32 v17, v20;
	v27 =	vld.idx.msk [tilespmem:v22+s24+$0x0], $0xffff;
	[tilespmem:s1+$0xC180] =	vst v21;
	v21 =	vmul.f32 v29, v19;
	v12 =	vcvt.f32.s32 v12  }
0x1b5: {  	s12 =	sand.u32 $0x40, s9;
	s7 =	sor.u32 s18, s7;
	v25 =	vadd.f32 v25, v33;
	v23 =	vmul.f32 $3.100000000e+01, v7;
	v24 =	vld.idx.msk [tilespmem:v28+s24+$0x0], $0xffff;
	v13 =	vtrunc.f32 v13  }
0x1b6: {  	s8 =	sor.u32 s12, s7;
	vm12 =	vgt.s32 v10, $0x0;
	v28 =	vld.idx.msk [tilespmem:v28+s23+$0x0], $0xffff;
	v13 =	vcvt.f32.s32 v13;
	v14 =	vmul.f32 v11, v14  }
0x1b7: {  	vm13 =	vgt.s32 v12, $0x0;
	v20 =	vtrunc.f32 v23;
	v23 =	vnsel vm12, $0x0, v10;
	v10 =	vld [tilespmem:s8+$0x1B0]  }
0x1b8: {  	v11 =	vld [tilespmem:s8+$0x180];
	v12 =	vnsel vm13, $0x0, v12;
	v20 =	vcvt.f32.s32 v20;
	v23 =	vmin.u32 v23, $0x1E  }
0x1b9: {  	vm14 =	vgt.s32 v13, $0x0;
	v26 =	vadd.f32 v14, v16;
	v14 =	vld [tilespmem:s8+$0x190];
	v16 =	vmin.u32 v12, $0x1E  }
0x1ba: {  	v34 =	vnsel vm14, $0x0, v13;
	v13 =	vld [tilespmem:s8+$0x1A0];
	vm15 =	vgt.s32 v20, $0x0;
	v12 =	vmul.f32 v24, v15  }
0x1bb: {  	[tilespmem:s1+$0xC1B0] =	vst v17;
	v17 =	vld.idx.msk [tilespmem:v22+s23+$0x0], $0xffff;
	v22 =	vmul.f32 v27, v18;
	v24 =	vmin.u32 v34, $0x1E;
	v20 =	vnsel vm15, $0x0, v20  }
0x1bc: {  	v20 =	vmin.u32 v20, $0x1E;
	v29 =	vmul.f32 $3.100000000e+01, v10;
	v27 =	vadd.f32 v12, v28;
	v12 =	vld.idx.msk [tilespmem:v31+s23+$0x0], $0xffff  }
0x1bd: {  	[tilespmem:s2+$0xC1B0] =	vst v26;
	v26 =	vadd.f32 v32, v30;
	v18 =	vmovc v24;
	v28 =	vmul.f32 $3.100000000e+01, v11;
	v19 =	vld.idx.msk [tilespmem:v23+s24+$0x0], $0xffff;
	v15 =	vmov v20  }
.LBB2_12:
0x1be: {  	s9 =	sadd.s32 $0x40, s9;
	v30 =	vmul.f32 $3.100000000e+01, v14;
	v29 =	vtrunc.f32 v29;
	s10 =	sadd.s32 $0x200, s10;
	v31 =	vld.idx.msk [tilespmem:v23+s23+$0x0], $0xffff;
	[tilespmem:s2+$0xC180] =	vst v27;
	v27 =	vmovc v14;
	v32 =	vmovc v22;
	v33 =	vmov v21  }
0x1bf: {  	s11 =	sadd.s32 $0x10, s11;
	s7 =	sand.u32 $0x7000, s9;
	s12 =	sand.u32 $0xC00, s10;
	v14 =	vmul.f32 $3.100000000e+01, v13;
	v21 =	vcvt.f32.s32 v29;
	v22 =	vld.idx.msk [tilespmem:v16+s24+$0x0], $0xffff;
	[tilespmem:s1+$0xC190] =	vst v26;
	v34 =	vmov v13  }
0x1c0: {  	p0 =	slt.u32 s9, $0x5FC0;
	v13 =	vtrunc.f32 v28;
	s7 =	sor.u32 s7, s12;
	s12 =	sand.u32 $0x380, s11;
	v23 =	vtrunc.f32 v30;
	v26 =	vld.idx.msk [tilespmem:v24+s24+$0x0], $0xffff;
	[tilespmem:s1+$0xC1A0] =	vst v25  }
0x1c1: {  	s14 =	sand.u32 $0x40, s9;
	v13 =	vcvt.f32.s32 v13;
	v28 =	vmovc v17;
	s1 =	smov.u32 s2;
	s7 =	sor.u32 s12, s7;
	v14 =	vtrunc.f32 v14;
	vm0 =	vgt.s32 v21, $0x0;
	v25 =	vld.idx.msk [tilespmem:v20+s24+$0x0], $0xffff  }
0x1c2: {  	s2 =	smov.u32 s3;
	s3 =	smov.u32 s8;
	v17 =	vcvt.f32.s32 v23;
	v20 =	vnsel vm0, $0x0, v21;
	v30 =	vld.idx.msk [tilespmem:v16+s23+$0x0], $0xffff;
	v16 =	vmul.f32 v19, v8;
	v8 =	vmovc v10;
	s8 =	sor.u32 s14, s7  }
0x1c3: {  	vm0 =	vgt.s32 v13, $0x0;
	v19 =	vcvt.f32.s32 v14;
	v10 =	vld [tilespmem:s8+$0x1B0];
	v23 =	vmin.u32 v20, $0x1E  }
0x1c4: {  	v13 =	vnsel vm0, $0x0, v13;
	vm0 =	vgt.s32 v17, $0x0;
	v35 =	vld [tilespmem:s8+$0x180];
	v20 =	vadd.f32 v16, v31  }
.Ltmp5:
0x1c5: {  	v16 =	vmin.u32 v13, $0x1E;
	v17 =	vnsel vm0, $0x0, v17;
	vm0 =	vgt.s32 v19, $0x0;
	v14 =	vld [tilespmem:s8+$0x190];
	(pc) =	sbr.rel @p0 .LBB2_12-.Ltmp5, $4  }
0x1c6: {  	v31 =	vmul.f32 v22, v9;
	v9 =	vmovc v11;
	v24 =	vmin.u32 v17, $0x1E;
	v17 =	vnsel vm0, $0x0, v19;
	v13 =	vld [tilespmem:s8+$0x1A0];
	[tilespmem:s2+$0xC1B0] =	vst v20  }
0x1c7: {  	v22 =	vmul.f32 v26, v6;
	v6 =	vmovc v27;
	v20 =	vmin.u32 v17, $0x1E;
	v21 =	vmul.f32 v25, v7;
	v17 =	vld.idx.msk [tilespmem:v18+s23+$0x0], $0xffff  }
0x1c8: {  	v26 =	vadd.f32 v32, v28;
	v7 =	vmovc v34;
	v27 =	vadd.f32 v31, v30;
	v29 =	vmul.f32 $3.100000000e+01, v10;
	v19 =	vld.idx.msk [tilespmem:v23+s24+$0x0], $0xffff  }
0x1c9: {  	v25 =	vadd.f32 v33, v12;
	v18 =	vmovc v24;
	v28 =	vmul.f32 $3.100000000e+01, v35;
	v12 =	vld.idx.msk [tilespmem:v15+s23+$0x0], $0xffff;
	v11 =	vmovc v35;
	v15 =	vmov v20  }
0x1ca: {  	_ = 	snop  }
0x1cb: {  	v29 =	vtrunc.f32 v29;
	v30 =	vmul.f32 $3.100000000e+01, v14  }
0x1cc: {  	v29 =	vcvt.f32.s32 v29;
	v28 =	vtrunc.f32 v28  }
0x1cd: {  	v31 =	vmul.f32 $3.100000000e+01, v13;
	v28 =	vcvt.f32.s32 v28  }
0x1ce: {  	v23 =	vld.idx.msk [tilespmem:v23+s23+$0x0], $0xffff;
	v30 =	vtrunc.f32 v30;
	vm0 =	vgt.s32 v29, $0x0  }
0x1cf: {  	v32 =	vld.idx.msk [tilespmem:v16+s24+$0x0], $0xffff;
	v31 =	vtrunc.f32 v31;
	v29 =	vnsel vm0, $0x0, v29;
	vm13 =	vgt.s32 v28, $0x0  }
0x1d0: {  	v24 =	vld.idx.msk [tilespmem:v24+s24+$0x0], $0xffff;
	v30 =	vcvt.f32.s32 v30;
	v29 =	vmin.u32 v29, $0x1E;
	v28 =	vnsel vm13, $0x0, v28  }
0x1d1: {  	v20 =	vld.idx.msk [tilespmem:v20+s24+$0x0], $0xffff;
	v31 =	vcvt.f32.s32 v31;
	v28 =	vmin.u32 v28, $0x1E  }
0x1d2: {  	v16 =	vld.idx.msk [tilespmem:v16+s23+$0x0], $0xffff;
	vm14 =	vgt.s32 v30, $0x0  }
0x1d3: {  	v18 =	vld.idx.msk [tilespmem:v18+s23+$0x0], $0xffff;
	v30 =	vnsel vm14, $0x0, v30;
	vm15 =	vgt.s32 v31, $0x0  }
0x1d4: {  	v15 =	vld.idx.msk [tilespmem:v15+s23+$0x0], $0xffff;
	v30 =	vmin.u32 v30, $0x1E;
	v31 =	vnsel vm15, $0x0, v31  }
0x1d5: {  	v31 =	vmin.u32 v31, $0x1E;
	v33 =	vld.idx.msk [tilespmem:v29+s24+$0x0], $0xffff  }
0x1d6: {  	v8 =	vmul.f32 v19, v8;
	v19 =	vld.idx.msk [tilespmem:v28+s24+$0x0], $0xffff  }
0x1d7: {  	[tilespmem:s2+$0xC180] =	vst v27;
	v9 =	vmul.f32 v32, v9;
	v27 =	vld.idx.msk [tilespmem:v29+s23+$0x0], $0xffff  }
0x1d8: {  	[tilespmem:s1+$0xC190] =	vst v26;
	v8 =	vadd.f32 v8, v23;
	v23 =	vld.idx.msk [tilespmem:v28+s23+$0x0], $0xffff  }
0x1d9: {  	[tilespmem:s1+$0xC1A0] =	vst v25;
	v12 =	vadd.f32 v21, v12;
	v9 =	vadd.f32 v9, v16;
	v16 =	vld.idx.msk [tilespmem:v30+s24+$0x0], $0xffff  }
0x1da: {  	[tilespmem:s3+$0xC1B0] =	vst v8;
	v8 =	vadd.f32 v22, v17;
	v17 =	vld.idx.msk [tilespmem:v31+s24+$0x0], $0xffff;
	v10 =	vmul.f32 v33, v10  }
0x1db: {  	v6 =	vmul.f32 v24, v6;
	[tilespmem:s3+$0xC180] =	vst v9;
	v9 =	vmul.f32 v19, v11;
	v11 =	vld.idx.msk [tilespmem:v30+s23+$0x0], $0xffff  }
0x1dc: {  	v7 =	vmul.f32 v20, v7;
	[tilespmem:s2+$0xC190] =	vst v8;
	v8 =	vadd.f32 v10, v27;
	v10 =	vld.idx.msk [tilespmem:v31+s23+$0x0], $0xffff  }
0x1dd: {  	[tilespmem:s2+$0xC1A0] =	vst v12;
	v6 =	vadd.f32 v6, v18  }
0x1de: {  	v7 =	vadd.f32 v7, v15;
	[tilespmem:s8+$0xC1B0] =	vst v8;
	v8 =	vmul.f32 v16, v14  }
0x1df: {  	[tilespmem:s3+$0xC190] =	vst v6;
	v9 =	vadd.f32 v9, v23;
	v12 =	vmul.f32 v17, v13  }
0x1e0: {  	[tilespmem:s3+$0xC1A0] =	vst v7;
	v6 =	vadd.f32 v8, v11  }
0x1e1: {  	[tilespmem:s8+$0xC180] =	vst v9;
	v7 =	vadd.f32 v12, v10  }
0x1e2: {  	[tilespmem:s8+$0xC190] =	vst v6  }
0x1e3: {  	[tilespmem:s8+$0xC1A0] =	vst v7  }
0x1e4: {  	s18 =	simm.s32 $0x0;
	s2 =	rddreg [dreg:$0xa]  }
0x1e5: {  	[hbm4b:s2+s18] =	stream.linear.scatter [tilespmem:s25], [sflag:$0x3], $0x6000, $0x38;
	[tilespmem:$0x18180] =	vst v63  }
0x1e6: {  	_ =	swait.ge [sflag:s30], $0x6000  }
0x1e7: {  	s8 =	simm.s32 $0x0;
	[sflag:s30] =	ssyncset.done $0x0  }
0x1e8: {  	s7 =	sand.u32 $0xC00, s18;
	s9 =	sand.u32 $0x7000, s8;
	[sflag:s30] =	ssyncadd.s32 $0xFFFFA000  }
0x1e9: {  	s1 =	sand.u32 $0x380, s18;
	s3 =	sor.u32 s9, s7;
	_ =	swait.ge [sflag:s26], $0x6000  }
0x1ea: {  	s2 =	sand.u32 $0x40, s8;
	s1 =	sor.u32 s1, s3;
	[sflag:s26] =	ssyncset.done $0x0  }
0x1eb: {  	s1 =	sor.u32 s2, s1;
	[sflag:s26] =	ssyncadd.s32 $0xFFFFA000  }
0x1ec: {  	v6 =	vld [tilespmem:s1+$0x61B0]  }
0x1ed: {  	s10 =	simm.s32 $0x40;
	s11 =	simm.s32 $0x200  }
0x1ee: {  	s14 =	simm.s32 $0x10;
	s12 =	sand.u32 $0x7000, s10;
	s3 =	sand.u32 $0xC00, s11;
	v10 =	vld [tilespmem:s1+$0x6180]  }
0x1ef: {  	s15 =	sand.u32 $0x380, s14;
	s3 =	sor.u32 s12, s3;
	v11 =	vld [tilespmem:s1+$0x6190]  }
0x1f0: {  	s2 =	sand.u32 $0x40, s10;
	s3 =	sor.u32 s15, s3;
	v12 =	vld [tilespmem:s1+$0x61A0]  }
0x1f1: {  	s2 =	sor.u32 s2, s3;
	v7 =	vmul.f32 $3.100000000e+01, v6  }
0x1f2: {  	v19 =	vld [tilespmem:s2+$0x61A0]  }
0x1f3: {  	v8 =	vmul.f32 $3.100000000e+01, v10;
	v7 =	vtrunc.f32 v7  }
0x1f4: {  	v9 =	vmul.f32 $3.100000000e+01, v11;
	v7 =	vcvt.f32.s32 v7  }
0x1f5: {  	v13 =	vmul.f32 $3.100000000e+01, v12;
	v8 =	vtrunc.f32 v8  }
0x1f6: {  	v9 =	vtrunc.f32 v9;
	v8 =	vcvt.f32.s32 v8;
	vm4 =	vgt.s32 v7, $0x0  }
0x1f7: {  	v24 =	vmul.f32 $3.100000000e+01, v19;
	v9 =	vcvt.f32.s32 v9;
	v7 =	vnsel vm4, $0x0, v7  }
0x1f8: {  	v14 =	vld [tilespmem:s2+$0x61B0];
	v13 =	vtrunc.f32 v13;
	vm5 =	vgt.s32 v8, $0x0;
	v7 =	vmin.u32 v7, $0x1E  }
0x1f9: {  	v13 =	vcvt.f32.s32 v13;
	vm6 =	vgt.s32 v9, $0x0;
	v8 =	vnsel vm5, $0x0, v8  }
0x1fa: {  	v18 =	vld [tilespmem:s2+$0x6190];
	v9 =	vnsel vm6, $0x0, v9;
	v8 =	vmin.u32 v8, $0x1E  }
0x1fb: {  	v24 =	vtrunc.f32 v24;
	vm7 =	vgt.s32 v13, $0x0;
	v16 =	vmin.u32 v9, $0x1E  }
0x1fc: {  	v15 =	vld [tilespmem:s2+$0x6180];
	v24 =	vcvt.f32.s32 v24;
	v9 =	vnsel vm7, $0x0, v13  }
0x1fd: {  	s18 =	simm.s32 $0x80;
	s10 =	simm.s32 $0x400;
	v13 =	vmin.u32 v9, $0x1E;
	v9 =	vmul.f32 $3.100000000e+01, v14;
	v17 =	vld.idx.msk [tilespmem:v7+s24+$0x0], $0xffff  }
0x1fe: {  	s9 =	simm.s32 $0x20;
	s11 =	sand.u32 $0x7000, s18;
	s7 =	sand.u32 $0xC00, s10;
	vm11 =	vgt.s32 v24, $0x0;
	v20 =	vld.idx.msk [tilespmem:v7+s23+$0x0], $0xffff  }
0x1ff: {  	s12 =	sand.u32 $0x380, s9;
	s7 =	sor.u32 s11, s7;
	v22 =	vmul.f32 $3.100000000e+01, v18;
	v24 =	vnsel vm11, $0x0, v24;
	v9 =	vtrunc.f32 v9;
	v21 =	vld.idx.msk [tilespmem:v8+s24+$0x0], $0xffff  }
0x200: {  	s3 =	sand.u32 $0x40, s18;
	s7 =	sor.u32 s12, s7;
	v31 =	vmin.u32 v24, $0x1E;
	v9 =	vcvt.f32.s32 v9;
	v23 =	vld.idx.msk [tilespmem:v16+s24+$0x0], $0xffff  }
0x201: {  	s3 =	sor.u32 s3, s7;
	v22 =	vtrunc.f32 v22;
	v7 =	vmul.f32 $3.100000000e+01, v15;
	v26 =	vld.idx.msk [tilespmem:v8+s23+$0x0], $0xffff  }
0x202: {  	v22 =	vcvt.f32.s32 v22;
	v8 =	vld [tilespmem:s3+$0x61B0];
	vm8 =	vgt.s32 v9, $0x0  }
0x203: {  	v25 =	vld.idx.msk [tilespmem:v13+s24+$0x0], $0xffff;
	v7 =	vtrunc.f32 v7;
	v9 =	vnsel vm8, $0x0, v9  }
0x204: {  	vm10 =	vgt.s32 v22, $0x0;
	v7 =	vcvt.f32.s32 v7;
	v27 =	vmin.u32 v9, $0x1E;
	v9 =	vld [tilespmem:s3+$0x6180]  }
0x205: {  	v22 =	vnsel vm10, $0x0, v22;
	v29 =	vld.idx.msk [tilespmem:v31+s24+$0x0], $0xffff  }
0x206: {  	v22 =	vmin.u32 v22, $0x1E;
	vm9 =	vgt.s32 v7, $0x0;
	v17 =	vmul.f32 v17, v6;
	v6 =	vld [tilespmem:s3+$0x6190]  }
0x207: {  	v63 =	vld.idx.msk [tilespmem:v13+s23+$0x0], $0xffff;
	v21 =	vmul.f32 v21, v10;
	v10 =	vmul.f32 $3.100000000e+01, v8;
	v7 =	vnsel vm9, $0x0, v7  }
0x208: {  	v62 =	vmul.f32 v23, v11;
	v25 =	vmul.f32 v25, v12;
	v28 =	vmin.u32 v7, $0x1E;
	v7 =	vld [tilespmem:s3+$0x61A0]  }
0x209: {  	v10 =	vtrunc.f32 v10;
	v11 =	vld.idx.msk [tilespmem:v27+s24+$0x0], $0xffff;
	v12 =	vmul.f32 $3.100000000e+01, v9  }
0x20a: {  	s9 =	simm.s32 $0xC0;
	s10 =	simm.s32 $0x600;
	v30 =	vld.idx.msk [tilespmem:v16+s23+$0x0], $0xffff;
	v21 =	vadd.f32 v21, v26;
	v10 =	vcvt.f32.s32 v10  }
0x20b: {  	s14 =	sand.u32 $0x7000, s9;
	s15 =	sand.u32 $0xC00, s10;
	s11 =	simm.s32 $0x30;
	v16 =	vld.idx.msk [tilespmem:v27+s23+$0x0], $0xffff;
	v13 =	vmul.f32 $3.100000000e+01, v6;
	v12 =	vtrunc.f32 v12  }
0x20c: {  	s18 =	sand.u32 $0x380, s11;
	s7 =	sor.u32 s14, s15;
	v17 =	vadd.f32 v17, v20;
	v27 =	vld.idx.msk [tilespmem:v22+s24+$0x0], $0xffff;
	[tilespmem:s1+$0x12180] =	vst v21;
	v21 =	vmul.f32 v29, v19;
	v12 =	vcvt.f32.s32 v12  }
0x20d: {  	s12 =	sand.u32 $0x40, s9;
	s7 =	sor.u32 s18, s7;
	v25 =	vadd.f32 v25, v63;
	v23 =	vmul.f32 $3.100000000e+01, v7;
	v24 =	vld.idx.msk [tilespmem:v28+s24+$0x0], $0xffff;
	v13 =	vtrunc.f32 v13  }
0x20e: {  	s8 =	sor.u32 s12, s7;
	vm12 =	vgt.s32 v10, $0x0;
	v28 =	vld.idx.msk [tilespmem:v28+s23+$0x0], $0xffff;
	v13 =	vcvt.f32.s32 v13;
	v14 =	vmul.f32 v11, v14  }
0x20f: {  	vm13 =	vgt.s32 v12, $0x0;
	v20 =	vtrunc.f32 v23;
	v23 =	vnsel vm12, $0x0, v10;
	v10 =	vld [tilespmem:s8+$0x61B0]  }
0x210: {  	v11 =	vld [tilespmem:s8+$0x6180];
	v12 =	vnsel vm13, $0x0, v12;
	v20 =	vcvt.f32.s32 v20;
	v23 =	vmin.u32 v23, $0x1E  }
0x211: {  	vm14 =	vgt.s32 v13, $0x0;
	v26 =	vadd.f32 v14, v16;
	v14 =	vld [tilespmem:s8+$0x6190];
	v16 =	vmin.u32 v12, $0x1E  }
0x212: {  	v34 =	vnsel vm14, $0x0, v13;
	v13 =	vld [tilespmem:s8+$0x61A0];
	vm15 =	vgt.s32 v20, $0x0;
	v12 =	vmul.f32 v24, v15  }
0x213: {  	[tilespmem:s1+$0x121B0] =	vst v17;
	v17 =	vld.idx.msk [tilespmem:v22+s23+$0x0], $0xffff;
	v22 =	vmul.f32 v27, v18;
	v24 =	vmin.u32 v34, $0x1E;
	v20 =	vnsel vm15, $0x0, v20  }
0x214: {  	v20 =	vmin.u32 v20, $0x1E;
	v29 =	vmul.f32 $3.100000000e+01, v10;
	v27 =	vadd.f32 v12, v28;
	v12 =	vld.idx.msk [tilespmem:v31+s23+$0x0], $0xffff  }
0x215: {  	[tilespmem:s2+$0x121B0] =	vst v26;
	v26 =	vadd.f32 v62, v30;
	v18 =	vmovc v24;
	v28 =	vmul.f32 $3.100000000e+01, v11;
	v19 =	vld.idx.msk [tilespmem:v23+s24+$0x0], $0xffff;
	v15 =	vmov v20  }
.LBB2_14:
0x216: {  	s9 =	sadd.s32 $0x40, s9;
	v30 =	vmul.f32 $3.100000000e+01, v14;
	v29 =	vtrunc.f32 v29;
	s10 =	sadd.s32 $0x200, s10;
	v31 =	vld.idx.msk [tilespmem:v23+s23+$0x0], $0xffff;
	[tilespmem:s2+$0x12180] =	vst v27;
	v27 =	vmovc v14;
	v32 =	vmovc v22;
	v33 =	vmov v21  }
0x217: {  	s11 =	sadd.s32 $0x10, s11;
	s7 =	sand.u32 $0x7000, s9;
	s12 =	sand.u32 $0xC00, s10;
	v14 =	vmul.f32 $3.100000000e+01, v13;
	v21 =	vcvt.f32.s32 v29;
	v22 =	vld.idx.msk [tilespmem:v16+s24+$0x0], $0xffff;
	[tilespmem:s1+$0x12190] =	vst v26;
	v34 =	vmov v13  }
0x218: {  	p0 =	slt.u32 s9, $0x5FC0;
	v13 =	vtrunc.f32 v28;
	s7 =	sor.u32 s7, s12;
	s12 =	sand.u32 $0x380, s11;
	v23 =	vtrunc.f32 v30;
	v26 =	vld.idx.msk [tilespmem:v24+s24+$0x0], $0xffff;
	[tilespmem:s1+$0x121A0] =	vst v25  }
0x219: {  	s14 =	sand.u32 $0x40, s9;
	v13 =	vcvt.f32.s32 v13;
	v28 =	vmovc v17;
	s1 =	smov.u32 s2;
	s7 =	sor.u32 s12, s7;
	v14 =	vtrunc.f32 v14;
	vm0 =	vgt.s32 v21, $0x0;
	v25 =	vld.idx.msk [tilespmem:v20+s24+$0x0], $0xffff  }
0x21a: {  	s2 =	smov.u32 s3;
	s3 =	smov.u32 s8;
	v17 =	vcvt.f32.s32 v23;
	v20 =	vnsel vm0, $0x0, v21;
	v30 =	vld.idx.msk [tilespmem:v16+s23+$0x0], $0xffff;
	v16 =	vmul.f32 v19, v8;
	v8 =	vmovc v10;
	s8 =	sor.u32 s14, s7  }
0x21b: {  	vm0 =	vgt.s32 v13, $0x0;
	v19 =	vcvt.f32.s32 v14;
	v10 =	vld [tilespmem:s8+$0x61B0];
	v23 =	vmin.u32 v20, $0x1E  }
0x21c: {  	v13 =	vnsel vm0, $0x0, v13;
	vm0 =	vgt.s32 v17, $0x0;
	v35 =	vld [tilespmem:s8+$0x6180];
	v20 =	vadd.f32 v16, v31  }
.Ltmp6:
0x21d: {  	v16 =	vmin.u32 v13, $0x1E;
	v17 =	vnsel vm0, $0x0, v17;
	vm0 =	vgt.s32 v19, $0x0;
	v14 =	vld [tilespmem:s8+$0x6190];
	(pc) =	sbr.rel @p0 .LBB2_14-.Ltmp6, $4  }
0x21e: {  	v31 =	vmul.f32 v22, v9;
	v9 =	vmovc v11;
	v24 =	vmin.u32 v17, $0x1E;
	v17 =	vnsel vm0, $0x0, v19;
	v13 =	vld [tilespmem:s8+$0x61A0];
	[tilespmem:s2+$0x121B0] =	vst v20  }
0x21f: {  	v22 =	vmul.f32 v26, v6;
	v6 =	vmovc v27;
	v20 =	vmin.u32 v17, $0x1E;
	v21 =	vmul.f32 v25, v7;
	v17 =	vld.idx.msk [tilespmem:v18+s23+$0x0], $0xffff  }
0x220: {  	v26 =	vadd.f32 v32, v28;
	v7 =	vmovc v34;
	v27 =	vadd.f32 v31, v30;
	v29 =	vmul.f32 $3.100000000e+01, v10;
	v19 =	vld.idx.msk [tilespmem:v23+s24+$0x0], $0xffff  }
0x221: {  	v25 =	vadd.f32 v33, v12;
	v18 =	vmovc v24;
	v28 =	vmul.f32 $3.100000000e+01, v35;
	v12 =	vld.idx.msk [tilespmem:v15+s23+$0x0], $0xffff;
	v11 =	vmovc v35;
	v15 =	vmov v20  }
0x222: {  	_ = 	snop  }
0x223: {  	v29 =	vtrunc.f32 v29  }
0x224: {  	v30 =	vmul.f32 $3.100000000e+01, v14;
	v29 =	vcvt.f32.s32 v29  }
0x225: {  	v28 =	vtrunc.f32 v28;
	v31 =	vmul.f32 $3.100000000e+01, v13  }
0x226: {  	v23 =	vld.idx.msk [tilespmem:v23+s23+$0x0], $0xffff;
	v28 =	vcvt.f32.s32 v28;
	vm0 =	vgt.s32 v29, $0x0  }
0x227: {  	v32 =	vld.idx.msk [tilespmem:v16+s24+$0x0], $0xffff;
	v30 =	vtrunc.f32 v30;
	v31 =	vtrunc.f32 v31;
	v29 =	vnsel vm0, $0x0, v29  }
0x228: {  	v24 =	vld.idx.msk [tilespmem:v24+s24+$0x0], $0xffff;
	v30 =	vcvt.f32.s32 v30;
	vm13 =	vgt.s32 v28, $0x0;
	v29 =	vmin.u32 v29, $0x1E  }
0x229: {  	v20 =	vld.idx.msk [tilespmem:v20+s24+$0x0], $0xffff;
	v31 =	vcvt.f32.s32 v31;
	v28 =	vnsel vm13, $0x0, v28  }
0x22a: {  	v51 =	vld.idx.msk [tilespmem:v16+s23+$0x0], $0xffff;
	vm14 =	vgt.s32 v30, $0x0;
	v28 =	vmin.u32 v28, $0x1E  }
0x22b: {  	v18 =	vld.idx.msk [tilespmem:v18+s23+$0x0], $0xffff;
	v30 =	vnsel vm14, $0x0, v30;
	vm15 =	vgt.s32 v31, $0x0  }
0x22c: {  	v15 =	vld.idx.msk [tilespmem:v15+s23+$0x0], $0xffff;
	v30 =	vmin.u32 v30, $0x1E;
	v31 =	vnsel vm15, $0x0, v31  }
0x22d: {  	v31 =	vmin.u32 v31, $0x1E;
	v33 =	vld.idx.msk [tilespmem:v29+s24+$0x0], $0xffff  }
0x22e: {  	v53 =	vld.idx.msk [tilespmem:v29+s23+$0x0], $0xffff  }
0x22f: {  	[tilespmem:s2+$0x12180] =	vst v27;
	v52 =	vld.idx.msk [tilespmem:v28+s24+$0x0], $0xffff  }
0x230: {  	[tilespmem:s1+$0x12190] =	vst v26;
	v56 =	vadd.f32 v22, v17;
	v8 =	vmul.f32 v19, v8;
	v54 =	vld.idx.msk [tilespmem:v28+s23+$0x0], $0xffff  }
0x231: {  	[tilespmem:s1+$0x121A0] =	vst v25;
	v12 =	vadd.f32 v21, v12;
	v9 =	vmul.f32 v32, v9;
	v55 =	vld.idx.msk [tilespmem:v30+s24+$0x0], $0xffff  }
0x232: {  	[tilespmem:s2+$0x12190] =	vst v56;
	v8 =	vadd.f32 v8, v23;
	v6 =	vmul.f32 v24, v6;
	v57 =	vld.idx.msk [tilespmem:v31+s24+$0x0], $0xffff  }
0x233: {  	v7 =	vmul.f32 v20, v7;
	[tilespmem:s2+$0x121A0] =	vst v12;
	v9 =	vadd.f32 v9, v51;
	v59 =	vld.idx.msk [tilespmem:v30+s23+$0x0], $0xffff  }
0x234: {  	[tilespmem:s3+$0x121B0] =	vst v8;
	v6 =	vadd.f32 v6, v18;
	v61 =	vld.idx.msk [tilespmem:v31+s23+$0x0], $0xffff;
	v10 =	vmul.f32 v33, v10  }
0x235: {  	v7 =	vadd.f32 v7, v15;
	[tilespmem:s3+$0x12180] =	vst v9;
	v58 =	vmul.f32 v52, v11  }
0x236: {  	[tilespmem:s3+$0x12190] =	vst v6;
	v60 =	vadd.f32 v10, v53;
	v62 =	vmul.f32 v55, v14  }
0x237: {  	[tilespmem:s3+$0x121A0] =	vst v7;
	v9 =	vadd.f32 v58, v54;
	v63 =	vmul.f32 v57, v13  }
0x238: {  	[tilespmem:s8+$0x121B0] =	vst v60;
	v6 =	vadd.f32 v62, v59  }
0x239: {  	[tilespmem:s8+$0x12180] =	vst v9;
	v7 =	vadd.f32 v63, v61  }
0x23a: {  	[tilespmem:s8+$0x12190] =	vst v6  }
0x23b: {  	[tilespmem:s8+$0x121A0] =	vst v7  }
0x23c: {  	s1 =	rddreg [dreg:$0xb]  }
0x23d: {  	[hbm4b:s1+s5] =	stream.linear.scatter [tilespmem:s28], [sflag:$0x4], $0x6000, $0x38;
	[tilespmem:$0x18180] =	vst v63  }
0x23e: {  	_ =	swait.ge [sflag:s29], $0x6000  }
0x23f: {  	[sflag:s29] =	ssyncset.done $0x0  }
0x240: {  	[sflag:s29] =	ssyncadd.s32 $0xFFFFA000  }
0x241: {  	_ =	swait.ge [sflag:s30], $0x6000  }
0x242: {  	s31 =	sadd.s32 $0x1, s31;
	s18 =	rddreg [dreg:$0xc]  }
0x243: {  	p0 =	sne.s32 s31, s18  }
.Ltmp7:
0x244: {  	_ = 	snop;
	(pc) =	sbr.rel @p0 .LBB2_1-.Ltmp7, $3  }
0x245: {  	_ =	sdelay $0x1  }
0x246: {  	[sflag:s30] =	ssyncset.done $0x0  }
0x247: {  	[sflag:s30] =	ssyncadd.s32 $0xFFFFA000  }
0x248: {  	_ =	sfence.sel $0x180000  }
0x249: {  	[bflag:$0x0] =	sbarrier.arrive $0xFFFF  }
0x24a: {  	_ =	strace $0x90000047  }
0x24b: {  	s0 =	stileid.u32;
	[bflag:$0x2] =	sbarrier.arrive $0xFFFF  }
0x24c: {  	p0 =	sne.s32 s0, $0x0;
	s0 =	rddreg [dreg:$0x3]  }
0x24d: {  	s0 =	sadd.s32 @!p0 $0x100000, s0  }
0x24e: {  	[sflag:s0] =	ssyncadd.tile.s32 @!p0 $0x1;
	_ =	shalt  }
.Lfunc_end2:
_tile_overlayer_lowered:
.L_overlay_start_2:
0x24f: {  	(tag) =	ssettag $0x2  }
0x250: {  	s0 =	rddreg [dreg:$0x0];
	s2 =	stileid.u32  }
0x251: {  	s1 =	rddreg [dreg:$0x1];
	p0 =	sne.s32 s2, $0x0  }
0x252: {  	s3 =	rddreg [dreg:$0x2];
	[bflag:$0x3] =	sbarrier.arrive $0xFFFF;
	s2 =	simm.s32 @!p0 $0x1C05  }
0x253: {  	[timem:s3], [sflag:s2] =	dma.local @!p0 [hbm:s0], s1  }
0x254: {  	s0 =	simm.s32 @!p0 $0x5  }
0x255: {  	_ =	swait.ge @!p0 [sflag:s0], s1  }
0x256: {  	s1 =	ssub.s32 @!p0 $0x0, s1;
	[sflag:s0] =	ssyncset.done @!p0 $0x0  }
0x257: {  	[sflag:s0] =	ssyncadd.s32 @!p0 s1  }
0x258: {  	[bflag:$0x3] =	sbarrier.arrive $0xFFFF  }
0x259: {  	_ =	shalt  }

</sc_bundles>
